<compile_context>
chip_gen: v7x
topology: tpu7x:2x2x1
jax: 0.10.2.dev20260603
libtpu: 0.0.44.dev20260713+nightly
codegen_flags: <defaults>
</compile_context>

<pallas_src>
import functools

import jax
import jax.numpy as jnp
from jax import lax
from jax.experimental import pallas as pl
from jax.experimental.pallas import tpu as pltpu
from jax.experimental.pallas import tpu_sc as plsc

_NC = 2
_NS = 16
_NW = _NC * _NS
_LANES = 16


def _sc_reductions(inds, mask, table, B, L, D):
    BPW = B // _NW
    H1, H2 = 104, 96
    NCH = D // _LANES

    mesh = plsc.VectorSubcoreMesh(core_axis_name="c", subcore_axis_name="s",
                                  num_cores=_NC, num_subcores=_NS)

    @functools.partial(
        pl.kernel,
        out_type=[jax.ShapeDtypeStruct((B, D), jnp.float32)] * 3,
        mesh=mesh,
        compiler_params=pltpu.CompilerParams(use_tc_tiling_on_sc=False,
                                             needs_layout_passes=False),
        scratch_types=[
            pltpu.VMEM((BPW, L), jnp.int32),
            pltpu.VMEM((BPW, L), jnp.float32),
            pltpu.VMEM((2, L, D), jnp.float32),
            pltpu.VMEM((BPW, D), jnp.float32),
            pltpu.VMEM((BPW, D), jnp.float32),
            pltpu.VMEM((BPW, D), jnp.float32),
            pltpu.SemaphoreType.DMA,
            pltpu.SemaphoreType.DMA,
        ],
    )
    def sc_kernel(inds_hbm, mask_hbm, table_hbm, s1_hbm, s2_hbm, e0_hbm,
                  idx_v, mask_v, rows_v, s1_v, s2_v, e0_v, sem0, sem1):
        wid = lax.axis_index("s") * _NC + lax.axis_index("c")
        base = wid * BPW
        pltpu.sync_copy(inds_hbm.at[pl.ds(base, BPW)], idx_v)
        pltpu.sync_copy(mask_hbm.at[pl.ds(base, BPW)], mask_v)

        sems = (sem0, sem1)

        def gather_descs(b, slot):
            return (
                pltpu.make_async_copy(table_hbm.at[idx_v.at[b, pl.ds(0, H1)]],
                                      rows_v.at[slot, pl.ds(0, H1)], sems[slot]),
                pltpu.make_async_copy(table_hbm.at[idx_v.at[b, pl.ds(H1, H2)]],
                                      rows_v.at[slot, pl.ds(H1, H2)], sems[slot]),
            )

        def start_g(b, slot):
            for c in gather_descs(b, slot):
                c.start()

        def wait_g(b, slot):
            for c in gather_descs(b, slot):
                c.wait()

        zero = jnp.zeros((_LANES,), jnp.float32)

        def compute(b, slot):
            rows = rows_v.at[slot]

            def body(l, carry):
                lv = jnp.full((_LANES,), l, jnp.int32)
                bv = jnp.full((_LANES,), b, jnp.int32)
                m = plsc.load_gather(mask_v, [bv, lv])
                out = []
                for j in range(NCH):
                    r = rows[l, pl.ds(j * _LANES, _LANES)]
                    out.append(carry[j] + r)
                    out.append(carry[NCH + j] + m * r)
                return tuple(out[0::2]) + tuple(out[1::2])

            e0 = [rows[0, pl.ds(j * _LANES, _LANES)] for j in range(NCH)]
            acc = lax.fori_loop(1, L, body, tuple(e0) + (zero,) * NCH)
            for j in range(NCH):
                s1_v[b, pl.ds(j * _LANES, _LANES)] = acc[j]
                s2_v[b, pl.ds(j * _LANES, _LANES)] = acc[NCH + j]
                e0_v[b, pl.ds(j * _LANES, _LANES)] = e0[j]

        start_g(0, 0)
        start_g(1, 1)

        @pl.loop(0, BPW // 2)
        def _(i):
            for j in range(2):
                b = i * 2 + j
                wait_g(b, j)
                compute(b, j)

                @pl.when(b + 2 < BPW)
                def _():
                    start_g(b + 2, j)

        pltpu.sync_copy(s1_v, s1_hbm.at[pl.ds(base, BPW)])
        pltpu.sync_copy(s2_v, s2_hbm.at[pl.ds(base, BPW)])
        pltpu.sync_copy(e0_v, e0_hbm.at[pl.ds(base, BPW)])

    return sc_kernel(inds, mask, table)


def _tc_tail(S1, S2, e0, mask0, W_mp, b_mp2, w_sc2, b_sc2, B, L, D):
    BB = 512
    grid = (B // BB,)

    def body(s1_ref, s2_ref, e0_ref, mask_ref, wmp_ref, bmp_ref, wsc_ref,
             bsc_ref, out_ref):
        s1 = s1_ref[...]
        pooled = s1 * (1.0 / L)
        msg = jnp.tanh(
            jnp.dot(pooled, wmp_ref[...], preferred_element_type=jnp.float32)
            + bmp_ref[...])
        mk = mask_ref[...]
        msum = jnp.sum(mk, axis=1, keepdims=True) - mk[:, 0:1]
        id_em = e0_ref[...] + msg
        agg = (s2_ref[...] + msum * msg) / (msum + 1e-8)
        w = wsc_ref[...]
        scores = (
            jnp.dot(id_em, w[:D], preferred_element_type=jnp.float32)
            + jnp.dot(agg, w[D:], preferred_element_type=jnp.float32)
            + bsc_ref[0, 0])
        out_ref[...] = scores

    blk = lambda r, c: pl.BlockSpec((r, c), lambda i: (i, 0))
    full = lambda r, c: pl.BlockSpec((r, c), lambda i: (0, 0))
    out = pl.pallas_call(
        body,
        grid=grid,
        in_specs=[blk(BB, D), blk(BB, D), blk(BB, D), blk(BB, L),
                  full(D, D), full(1, D), full(2 * D, 1), full(1, 1)],
        out_specs=pl.BlockSpec((BB, 1), lambda i: (i, 0)),
        out_shape=jax.ShapeDtypeStruct((B, 1), jnp.float32),
    )(S1, S2, e0, mask0, W_mp, b_mp2, w_sc2, b_sc2)
    return out[:, 0]


def kernel(inds, mask, table, W_mp, b_mp, w_sc, b_sc):
    B, L = inds.shape
    V, D = table.shape
    S1, S2, e0 = _sc_reductions(inds.astype(jnp.int32), mask, table, B, L, D)
    b_mp2 = b_mp.reshape(1, D)
    w_sc2 = w_sc.reshape(2 * D, 1)
    b_sc2 = b_sc.reshape(1, 1)
    return _tc_tail(S1, S2, e0, mask, W_mp, b_mp2, w_sc2, b_sc2, B, L, D)

# --- scband reference (transcript-rebuilt; emitter-appended) ---
"""Pipeline reference for scband-model-37177236914966 (READ-ONLY COPY).

The authoritative reference and input builder live on the scoring server;
editing this copy changes nothing except your own understanding.
"""

import jax, jax.numpy as jnp
import numpy as np

VOCAB = 1000000
EM_DIM = 64
B = 4096
L = 200

def setup_inputs(seed: int = 0) -> dict:
    key = jax.random.key(seed)
    k1, k2, k3, k4, k5 = jax.random.split(key, 5)
    inds = jax.random.randint(k1, (B, L), 0, VOCAB, dtype=jnp.int64) if jax.config.jax_enable_x64 else jax.random.randint(k1, (B, L), 0, VOCAB, dtype=jnp.int32)
    mask = jax.random.uniform(k2, (B, L), dtype=jnp.float32)
    # learned params
    table = jax.random.normal(k3, (VOCAB, EM_DIM), dtype=jnp.float32) * 0.02
    W_mp = jax.random.normal(k4, (EM_DIM, EM_DIM), dtype=jnp.float32) * (1.0 / np.sqrt(EM_DIM))
    b_mp = jnp.zeros((EM_DIM,), dtype=jnp.float32)
    w_sc = jax.random.normal(k5, (2 * EM_DIM,), dtype=jnp.float32) * (1.0 / np.sqrt(2 * EM_DIM))
    b_sc = jnp.zeros((), dtype=jnp.float32)
    return {"inds": inds, "mask": mask, "table": table, "W_mp": W_mp, "b_mp": b_mp, "w_sc": w_sc, "b_sc": b_sc}


def reference(inds, mask, table, W_mp, b_mp, w_sc, b_sc):
    # em_layer: embedding gather  [B, L, D]
    em = jnp.take(table, inds, axis=0)
    # mp_layer (BaseMean): mean message passing over the sequence
    pooled = jnp.mean(em, axis=1, keepdims=True)            # [B, 1, D]
    msg = jnp.tanh(pooled @ W_mp + b_mp)                     # [B, 1, D]
    em_update = em + msg                                     # [B, L, D]
    # scorer (Scorers_w_id): position 0 is the id; neighbors are masked-mean pooled
    id_em = em_update[:, 0, :]                               # [B, D]
    nb = em_update[:, 1:, :]                                 # [B, L-1, D]
    m = mask[:, 1:]                                          # [B, L-1]
    den = jnp.sum(m, axis=1, keepdims=True) + 1e-8
    agg = jnp.sum(nb * m[:, :, None], axis=1) / den          # [B, D]
    feat = jnp.concatenate([id_em, agg], axis=-1)            # [B, 2D]
    scores = feat @ w_sc + b_sc                              # [B]
    return scores

if __name__ == "__main__":
    import jax
    _d = setup_inputs()
    print(jax.jit(kernel)(*tuple(_d.values())))

</pallas_src>

<mosaic_0001>
#map = affine_map<(d0, d1) -> (0, 0)>
module attributes {stable_mosaic.version = 14 : i64} {
  func.func @sc_kernel(%arg0: i32, %arg1: i32, %arg2: memref<4096x200xi32, #tpu.memory_space<hbm>>, %arg3: memref<4096x200xf32, #tpu.memory_space<hbm>>, %arg4: memref<1000000x64xf32, #tpu.memory_space<hbm>>, %arg5: memref<4096x64xf32, #tpu.memory_space<hbm>>, %arg6: memref<4096x64xf32, #tpu.memory_space<hbm>>, %arg7: memref<4096x64xf32, #tpu.memory_space<hbm>>, %arg8: memref<128x200xi32, #tpu.memory_space<vmem>>, %arg9: memref<128x200xf32, #tpu.memory_space<vmem>>, %arg10: memref<2x200x64xf32, #tpu.memory_space<vmem>>, %arg11: memref<128x64xf32, #tpu.memory_space<vmem>>, %arg12: memref<128x64xf32, #tpu.memory_space<vmem>>, %arg13: memref<128x64xf32, #tpu.memory_space<vmem>>, %arg14: memref<!tpu.dma_semaphore, #tpu.memory_space<semaphore_mem>>, %arg15: memref<!tpu.dma_semaphore, #tpu.memory_space<semaphore_mem>>) attributes {dimension_semantics = [#tpu.dimension_semantics<core_parallel>, #tpu.dimension_semantics<subcore_parallel>], iteration_bounds = array<i64: 2, 16>, scalar_prefetch = 0 : i64, scratch_operands = 8 : i64, tpu.core_type = #tpu.core_type<sc_vector_subcore>, window_params = [{transform_indices = #map}, {transform_indices = #map}, {transform_indices = #map}, {transform_indices = #map}, {transform_indices = #map}, {transform_indices = #map}]} {
    %mul3A = arith.constant 2 : i32
    %mul3A_0 = arith.muli %arg1, %mul3A : i32
    %add3A = arith.addi %mul3A_0, %arg0 : i32
    %mul3A_1 = arith.constant 128 : i32
    %mul3A_2 = arith.muli %add3A, %mul3A_1 : i32
    "tpu.region"() ({
      %run_scoped3A = tpu.sem_alloc : memref<!tpu.dma_semaphore, #tpu.memory_space<semaphore_mem>>
      %dma_start3A_55 = arith.constant 0 : i32
      %dma_start3A_56 = tpu.memref_slice %arg2[%mul3A_2, %dma_start3A_55] : memref<4096x200xi32, #tpu.memory_space<hbm>> -> memref<128x200xi32, #tpu.memory_space<hbm>>
      %dma_start3A_57 = arith.constant 0 : i32
      %dma_start3A_58 = tpu.memref_slice %arg2[%mul3A_2, %dma_start3A_57] : memref<4096x200xi32, #tpu.memory_space<hbm>> -> memref<128x200xi32, #tpu.memory_space<hbm>>
      tpu.enqueue_dma source(%dma_start3A_58 : memref<128x200xi32, #tpu.memory_space<hbm>>) target(%arg8 : memref<128x200xi32, #tpu.memory_space<vmem>>) target_semaphore(%run_scoped3A : memref<!tpu.dma_semaphore, #tpu.memory_space<semaphore_mem>>)
      %dma_wait3A = arith.constant 0 : i32
      %dma_wait3A_59 = tpu.memref_slice %arg2[%mul3A_2, %dma_wait3A] : memref<4096x200xi32, #tpu.memory_space<hbm>> -> memref<128x200xi32, #tpu.memory_space<hbm>>
      %dma_wait3A_60 = arith.constant 0 : i32
      %dma_wait3A_61 = tpu.memref_slice %arg2[%mul3A_2, %dma_wait3A_60] : memref<4096x200xi32, #tpu.memory_space<hbm>> -> memref<128x200xi32, #tpu.memory_space<hbm>>
      tpu.wait_dma2 semaphore(%run_scoped3A : memref<!tpu.dma_semaphore, #tpu.memory_space<semaphore_mem>>) src(%dma_wait3A_61 : memref<128x200xi32, #tpu.memory_space<hbm>>) dst(%arg8 : memref<128x200xi32, #tpu.memory_space<vmem>>)
      tpu.yield
    }) : () -> ()
    "tpu.region"() ({
      %run_scoped3A = tpu.sem_alloc : memref<!tpu.dma_semaphore, #tpu.memory_space<semaphore_mem>>
      %dma_start3A_55 = arith.constant 0 : i32
      %dma_start3A_56 = tpu.memref_slice %arg3[%mul3A_2, %dma_start3A_55] : memref<4096x200xf32, #tpu.memory_space<hbm>> -> memref<128x200xf32, #tpu.memory_space<hbm>>
      %dma_start3A_57 = arith.constant 0 : i32
      %dma_start3A_58 = tpu.memref_slice %arg3[%mul3A_2, %dma_start3A_57] : memref<4096x200xf32, #tpu.memory_space<hbm>> -> memref<128x200xf32, #tpu.memory_space<hbm>>
      tpu.enqueue_dma source(%dma_start3A_58 : memref<128x200xf32, #tpu.memory_space<hbm>>) target(%arg9 : memref<128x200xf32, #tpu.memory_space<vmem>>) target_semaphore(%run_scoped3A : memref<!tpu.dma_semaphore, #tpu.memory_space<semaphore_mem>>)
      %dma_wait3A = arith.constant 0 : i32
      %dma_wait3A_59 = tpu.memref_slice %arg3[%mul3A_2, %dma_wait3A] : memref<4096x200xf32, #tpu.memory_space<hbm>> -> memref<128x200xf32, #tpu.memory_space<hbm>>
      %dma_wait3A_60 = arith.constant 0 : i32
      %dma_wait3A_61 = tpu.memref_slice %arg3[%mul3A_2, %dma_wait3A_60] : memref<4096x200xf32, #tpu.memory_space<hbm>> -> memref<128x200xf32, #tpu.memory_space<hbm>>
      tpu.wait_dma2 semaphore(%run_scoped3A : memref<!tpu.dma_semaphore, #tpu.memory_space<semaphore_mem>>) src(%dma_wait3A_61 : memref<128x200xf32, #tpu.memory_space<hbm>>) dst(%arg9 : memref<128x200xf32, #tpu.memory_space<vmem>>)
      tpu.yield
    }) : () -> ()
    %broadcast_in_dim3A = arith.constant 0.000000e+00 : f32
    %broadcast_in_dim3A_3 = vector.broadcast %broadcast_in_dim3A : f32 to vector<16xf32>
    %dma_start3A = arith.constant 0 : i32
    %dma_start3A_4 = arith.constant 0 : i32
    %dma_start3A_5 = arith.constant 0 : i32
    %dma_start3A_6 = arith.constant 0 : i32
    %dma_start3A_7 = tpu.memref_slice %arg10[%dma_start3A_4, %dma_start3A_5, %dma_start3A_6] : memref<2x200x64xf32, #tpu.memory_space<vmem>> -> memref<1x104x64xf32, #tpu.memory_space<vmem>>
    %dma_start3A_8 = tpu.memref_squeeze %dma_start3A_7 : memref<1x104x64xf32, #tpu.memory_space<vmem>> -> memref<104x64xf32, #tpu.memory_space<vmem>>
    %dma_start3A_9 = arith.constant 0 : i32
    %dma_start3A_10 = tpu.memref_slice %arg8[%dma_start3A, %dma_start3A_9] : memref<128x200xi32, #tpu.memory_space<vmem>> -> memref<1x104xi32, #tpu.memory_space<vmem>>
    %dma_start3A_11 = tpu.memref_squeeze %dma_start3A_10 : memref<1x104xi32, #tpu.memory_space<vmem>> -> memref<104xi32, #tpu.memory_space<vmem>>
    %dma_start3A_12 = arith.constant 0 : i32
    %dma_start3A_13 = arith.constant 0 : i32
    %dma_start3A_14 = tpu.memref_slice %arg4[%dma_start3A_12, %dma_start3A_13] : memref<1000000x64xf32, #tpu.memory_space<hbm>> -> memref<1000000x64xf32, #tpu.memory_space<hbm>>
    tpu.enqueue_indirect_dma source(%dma_start3A_14 : memref<1000000x64xf32, #tpu.memory_space<hbm>>) target(%dma_start3A_8 : memref<104x64xf32, #tpu.memory_space<vmem>>) offsets(%dma_start3A_11 : memref<104xi32, #tpu.memory_space<vmem>>) semaphore(%arg14 : memref<!tpu.dma_semaphore, #tpu.memory_space<semaphore_mem>>)
    %dma_start3A_15 = arith.constant 0 : i32
    %dma_start3A_16 = arith.constant 0 : i32
    %dma_start3A_17 = arith.constant 104 : i32
    %dma_start3A_18 = arith.constant 0 : i32
    %dma_start3A_19 = tpu.memref_slice %arg10[%dma_start3A_16, %dma_start3A_17, %dma_start3A_18] : memref<2x200x64xf32, #tpu.memory_space<vmem>> -> memref<1x96x64xf32, #tpu.memory_space<vmem>>
    %dma_start3A_20 = tpu.memref_squeeze %dma_start3A_19 : memref<1x96x64xf32, #tpu.memory_space<vmem>> -> memref<96x64xf32, #tpu.memory_space<vmem>>
    %dma_start3A_21 = arith.constant 104 : i32
    %dma_start3A_22 = tpu.memref_slice %arg8[%dma_start3A_15, %dma_start3A_21] : memref<128x200xi32, #tpu.memory_space<vmem>> -> memref<1x96xi32, #tpu.memory_space<vmem>>
    %dma_start3A_23 = tpu.memref_squeeze %dma_start3A_22 : memref<1x96xi32, #tpu.memory_space<vmem>> -> memref<96xi32, #tpu.memory_space<vmem>>
    %dma_start3A_24 = arith.constant 0 : i32
    %dma_start3A_25 = arith.constant 0 : i32
    %dma_start3A_26 = tpu.memref_slice %arg4[%dma_start3A_24, %dma_start3A_25] : memref<1000000x64xf32, #tpu.memory_space<hbm>> -> memref<1000000x64xf32, #tpu.memory_space<hbm>>
    tpu.enqueue_indirect_dma source(%dma_start3A_26 : memref<1000000x64xf32, #tpu.memory_space<hbm>>) target(%dma_start3A_20 : memref<96x64xf32, #tpu.memory_space<vmem>>) offsets(%dma_start3A_23 : memref<96xi32, #tpu.memory_space<vmem>>) semaphore(%arg14 : memref<!tpu.dma_semaphore, #tpu.memory_space<semaphore_mem>>)
    %dma_start3A_27 = arith.constant 1 : i32
    %dma_start3A_28 = arith.constant 1 : i32
    %dma_start3A_29 = arith.constant 0 : i32
    %dma_start3A_30 = arith.constant 0 : i32
    %dma_start3A_31 = tpu.memref_slice %arg10[%dma_start3A_28, %dma_start3A_29, %dma_start3A_30] : memref<2x200x64xf32, #tpu.memory_space<vmem>> -> memref<1x104x64xf32, #tpu.memory_space<vmem>>
    %dma_start3A_32 = tpu.memref_squeeze %dma_start3A_31 : memref<1x104x64xf32, #tpu.memory_space<vmem>> -> memref<104x64xf32, #tpu.memory_space<vmem>>
    %dma_start3A_33 = arith.constant 0 : i32
    %dma_start3A_34 = tpu.memref_slice %arg8[%dma_start3A_27, %dma_start3A_33] : memref<128x200xi32, #tpu.memory_space<vmem>> -> memref<1x104xi32, #tpu.memory_space<vmem>>
    %dma_start3A_35 = tpu.memref_squeeze %dma_start3A_34 : memref<1x104xi32, #tpu.memory_space<vmem>> -> memref<104xi32, #tpu.memory_space<vmem>>
    %dma_start3A_36 = arith.constant 0 : i32
    %dma_start3A_37 = arith.constant 0 : i32
    %dma_start3A_38 = tpu.memref_slice %arg4[%dma_start3A_36, %dma_start3A_37] : memref<1000000x64xf32, #tpu.memory_space<hbm>> -> memref<1000000x64xf32, #tpu.memory_space<hbm>>
    tpu.enqueue_indirect_dma source(%dma_start3A_38 : memref<1000000x64xf32, #tpu.memory_space<hbm>>) target(%dma_start3A_32 : memref<104x64xf32, #tpu.memory_space<vmem>>) offsets(%dma_start3A_35 : memref<104xi32, #tpu.memory_space<vmem>>) semaphore(%arg15 : memref<!tpu.dma_semaphore, #tpu.memory_space<semaphore_mem>>)
    %dma_start3A_39 = arith.constant 1 : i32
    %dma_start3A_40 = arith.constant 1 : i32
    %dma_start3A_41 = arith.constant 104 : i32
    %dma_start3A_42 = arith.constant 0 : i32
    %dma_start3A_43 = tpu.memref_slice %arg10[%dma_start3A_40, %dma_start3A_41, %dma_start3A_42] : memref<2x200x64xf32, #tpu.memory_space<vmem>> -> memref<1x96x64xf32, #tpu.memory_space<vmem>>
    %dma_start3A_44 = tpu.memref_squeeze %dma_start3A_43 : memref<1x96x64xf32, #tpu.memory_space<vmem>> -> memref<96x64xf32, #tpu.memory_space<vmem>>
    %dma_start3A_45 = arith.constant 104 : i32
    %dma_start3A_46 = tpu.memref_slice %arg8[%dma_start3A_39, %dma_start3A_45] : memref<128x200xi32, #tpu.memory_space<vmem>> -> memref<1x96xi32, #tpu.memory_space<vmem>>
    %dma_start3A_47 = tpu.memref_squeeze %dma_start3A_46 : memref<1x96xi32, #tpu.memory_space<vmem>> -> memref<96xi32, #tpu.memory_space<vmem>>
    %dma_start3A_48 = arith.constant 0 : i32
    %dma_start3A_49 = arith.constant 0 : i32
    %dma_start3A_50 = tpu.memref_slice %arg4[%dma_start3A_48, %dma_start3A_49] : memref<1000000x64xf32, #tpu.memory_space<hbm>> -> memref<1000000x64xf32, #tpu.memory_space<hbm>>
    tpu.enqueue_indirect_dma source(%dma_start3A_50 : memref<1000000x64xf32, #tpu.memory_space<hbm>>) target(%dma_start3A_44 : memref<96x64xf32, #tpu.memory_space<vmem>>) offsets(%dma_start3A_47 : memref<96xi32, #tpu.memory_space<vmem>>) semaphore(%arg15 : memref<!tpu.dma_semaphore, #tpu.memory_space<semaphore_mem>>)
    %scan3A = arith.constant 0 : i32
    %scan3A_51 = arith.constant 64 : i32
    %scan3A_52 = arith.addi %scan3A, %scan3A_51 : i32
    %scan3A_53 = arith.constant 1 : i32
    scf.for %scan3A_55 = %scan3A to %scan3A_52 step %scan3A_53  : i32 {
      %mul3A_56 = arith.constant 1 : i32
      %mul3A_57 = arith.muli %scan3A_55, %mul3A_56 : i32
      %add3A_58 = arith.constant 0 : i32
      %add3A_59 = arith.addi %add3A_58, %mul3A_57 : i32
      %mul3A_60 = arith.constant 2 : i32
      %mul3A_61 = arith.muli %add3A_59, %mul3A_60 : i32
      %add3A_62 = arith.constant 0 : i32
      %add3A_63 = arith.addi %mul3A_61, %add3A_62 : i32
      %dma_wait3A = arith.constant 0 : i32
      %dma_wait3A_64 = arith.constant 0 : i32
      %dma_wait3A_65 = arith.constant 0 : i32
      %dma_wait3A_66 = tpu.memref_slice %arg10[%dma_wait3A, %dma_wait3A_64, %dma_wait3A_65] : memref<2x200x64xf32, #tpu.memory_space<vmem>> -> memref<1x104x64xf32, #tpu.memory_space<vmem>>
      %dma_wait3A_67 = tpu.memref_squeeze %dma_wait3A_66 : memref<1x104x64xf32, #tpu.memory_space<vmem>> -> memref<104x64xf32, #tpu.memory_space<vmem>>
      %dma_wait3A_68 = arith.constant 0 : i32
      %dma_wait3A_69 = tpu.memref_slice %arg8[%add3A_63, %dma_wait3A_68] : memref<128x200xi32, #tpu.memory_space<vmem>> -> memref<1x104xi32, #tpu.memory_space<vmem>>
      %dma_wait3A_70 = tpu.memref_squeeze %dma_wait3A_69 : memref<1x104xi32, #tpu.memory_space<vmem>> -> memref<104xi32, #tpu.memory_space<vmem>>
      %dma_wait3A_71 = arith.constant 0 : i32
      %dma_wait3A_72 = arith.constant 0 : i32
      %dma_wait3A_73 = tpu.memref_slice %arg4[%dma_wait3A_71, %dma_wait3A_72] : memref<1000000x64xf32, #tpu.memory_space<hbm>> -> memref<1000000x64xf32, #tpu.memory_space<hbm>>
      tpu.wait_indirect_dma semaphore(%arg14 : memref<!tpu.dma_semaphore, #tpu.memory_space<semaphore_mem>>) src(%dma_wait3A_73 : memref<1000000x64xf32, #tpu.memory_space<hbm>>) dst(%dma_wait3A_67 : memref<104x64xf32, #tpu.memory_space<vmem>>)
      %dma_wait3A_74 = arith.constant 0 : i32
      %dma_wait3A_75 = arith.constant 104 : i32
      %dma_wait3A_76 = arith.constant 0 : i32
      %dma_wait3A_77 = tpu.memref_slice %arg10[%dma_wait3A_74, %dma_wait3A_75, %dma_wait3A_76] : memref<2x200x64xf32, #tpu.memory_space<vmem>> -> memref<1x96x64xf32, #tpu.memory_space<vmem>>
      %dma_wait3A_78 = tpu.memref_squeeze %dma_wait3A_77 : memref<1x96x64xf32, #tpu.memory_space<vmem>> -> memref<96x64xf32, #tpu.memory_space<vmem>>
      %dma_wait3A_79 = arith.constant 104 : i32
      %dma_wait3A_80 = tpu.memref_slice %arg8[%add3A_63, %dma_wait3A_79] : memref<128x200xi32, #tpu.memory_space<vmem>> -> memref<1x96xi32, #tpu.memory_space<vmem>>
      %dma_wait3A_81 = tpu.memref_squeeze %dma_wait3A_80 : memref<1x96xi32, #tpu.memory_space<vmem>> -> memref<96xi32, #tpu.memory_space<vmem>>
      %dma_wait3A_82 = arith.constant 0 : i32
      %dma_wait3A_83 = arith.constant 0 : i32
      %dma_wait3A_84 = tpu.memref_slice %arg4[%dma_wait3A_82, %dma_wait3A_83] : memref<1000000x64xf32, #tpu.memory_space<hbm>> -> memref<1000000x64xf32, #tpu.memory_space<hbm>>
      tpu.wait_indirect_dma semaphore(%arg14 : memref<!tpu.dma_semaphore, #tpu.memory_space<semaphore_mem>>) src(%dma_wait3A_84 : memref<1000000x64xf32, #tpu.memory_space<hbm>>) dst(%dma_wait3A_78 : memref<96x64xf32, #tpu.memory_space<vmem>>)
      %get3A = arith.constant 0 : i32
      %get3A_85 = arith.constant 0 : i32
      %get3A_86 = arith.constant 0 : i32
      %get3A_87 = arith.constant 0 : i32
      %get3A_88 = tpu.memref_slice %arg10[%get3A, %get3A_86, %get3A_87] : memref<2x200x64xf32, #tpu.memory_space<vmem>> -> memref<1x200x64xf32, #tpu.memory_space<vmem>>
      %get3A_89 = tpu.memref_squeeze %get3A_88 : memref<1x200x64xf32, #tpu.memory_space<vmem>> -> memref<200x64xf32, #tpu.memory_space<vmem>>
      %get3A_90 = arith.index_cast %get3A_85 : i32 to index
      %get3A_91 = arith.constant 0 : index
      %get3A_92 = tpu.vector_load %get3A_89[%get3A_90, %get3A_91] {strides = array<i32>} : memref<200x64xf32, #tpu.memory_space<vmem>>, vector<16xf32>,
      %get3A_93 = arith.constant 0 : i32
      %get3A_94 = arith.constant 0 : i32
      %get3A_95 = arith.constant 0 : i32
      %get3A_96 = arith.constant 0 : i32
      %get3A_97 = tpu.memref_slice %arg10[%get3A_93, %get3A_95, %get3A_96] : memref<2x200x64xf32, #tpu.memory_space<vmem>> -> memref<1x200x64xf32, #tpu.memory_space<vmem>>
      %get3A_98 = tpu.memref_squeeze %get3A_97 : memref<1x200x64xf32, #tpu.memory_space<vmem>> -> memref<200x64xf32, #tpu.memory_space<vmem>>
      %get3A_99 = arith.index_cast %get3A_94 : i32 to index
      %get3A_100 = arith.constant 16 : index
      %get3A_101 = tpu.vector_load %get3A_98[%get3A_99, %get3A_100] {strides = array<i32>} : memref<200x64xf32, #tpu.memory_space<vmem>>, vector<16xf32>,
      %get3A_102 = arith.constant 0 : i32
      %get3A_103 = arith.constant 0 : i32
      %get3A_104 = arith.constant 0 : i32
      %get3A_105 = arith.constant 0 : i32
      %get3A_106 = tpu.memref_slice %arg10[%get3A_102, %get3A_104, %get3A_105] : memref<2x200x64xf32, #tpu.memory_space<vmem>> -> memref<1x200x64xf32, #tpu.memory_space<vmem>>
      %get3A_107 = tpu.memref_squeeze %get3A_106 : memref<1x200x64xf32, #tpu.memory_space<vmem>> -> memref<200x64xf32, #tpu.memory_space<vmem>>
      %get3A_108 = arith.index_cast %get3A_103 : i32 to index
      %get3A_109 = arith.constant 32 : index
      %get3A_110 = tpu.vector_load %get3A_107[%get3A_108, %get3A_109] {strides = array<i32>} : memref<200x64xf32, #tpu.memory_space<vmem>>, vector<16xf32>,
      %get3A_111 = arith.constant 0 : i32
      %get3A_112 = arith.constant 0 : i32
      %get3A_113 = arith.constant 0 : i32
      %get3A_114 = arith.constant 0 : i32
      %get3A_115 = tpu.memref_slice %arg10[%get3A_111, %get3A_113, %get3A_114] : memref<2x200x64xf32, #tpu.memory_space<vmem>> -> memref<1x200x64xf32, #tpu.memory_space<vmem>>
      %get3A_116 = tpu.memref_squeeze %get3A_115 : memref<1x200x64xf32, #tpu.memory_space<vmem>> -> memref<200x64xf32, #tpu.memory_space<vmem>>
      %get3A_117 = arith.index_cast %get3A_112 : i32 to index
      %get3A_118 = arith.constant 48 : index
      %get3A_119 = tpu.vector_load %get3A_116[%get3A_117, %get3A_118] {strides = array<i32>} : memref<200x64xf32, #tpu.memory_space<vmem>>, vector<16xf32>,
      %scan3A_120 = arith.constant 0 : i32
      %scan3A_121 = arith.constant 1 : i32
      %scan3A_122 = arith.constant 199 : i32
      %scan3A_123 = arith.addi %scan3A_121, %scan3A_122 : i32
      %scan3A_124 = arith.constant 1 : i32
      %scan3A_125:8 = scf.for %scan3A_278 = %scan3A_121 to %scan3A_123 step %scan3A_124 iter_args(%scan3A_279 = %get3A_92, %scan3A_280 = %get3A_101, %scan3A_281 = %get3A_110, %scan3A_282 = %get3A_119, %scan3A_283 = %broadcast_in_dim3A_3, %scan3A_284 = %broadcast_in_dim3A_3, %scan3A_285 = %broadcast_in_dim3A_3, %scan3A_286 = %broadcast_in_dim3A_3) -> (vector<16xf32>, vector<16xf32>, vector<16xf32>, vector<16xf32>, vector<16xf32>, vector<16xf32>, vector<16xf32>, vector<16xf32>)  : i32 {
        %broadcast_in_dim3A_287 = vector.broadcast %scan3A_278 : i32 to vector<16xi32>
        %broadcast_in_dim3A_288 = vector.broadcast %add3A_63 : i32 to vector<16xi32>
        %gather3A = tpu.vector_load_idx %arg9[%broadcast_in_dim3A_288, %broadcast_in_dim3A_287] : memref<128x200xf32, #tpu.memory_space<vmem>>[vector<16xi32>, vector<16xi32>], vector<16xf32>,
        %get3A_289 = arith.constant 0 : i32
        %get3A_290 = arith.constant 0 : i32
        %get3A_291 = tpu.memref_slice %arg10[%scan3A_120, %get3A_289, %get3A_290] : memref<2x200x64xf32, #tpu.memory_space<vmem>> -> memref<1x200x64xf32, #tpu.memory_space<vmem>>
        %get3A_292 = tpu.memref_squeeze %get3A_291 : memref<1x200x64xf32, #tpu.memory_space<vmem>> -> memref<200x64xf32, #tpu.memory_space<vmem>>
        %get3A_293 = arith.index_cast %scan3A_278 : i32 to index
        %get3A_294 = arith.constant 0 : index
        %get3A_295 = tpu.vector_load %get3A_292[%get3A_293, %get3A_294] {strides = array<i32>} : memref<200x64xf32, #tpu.memory_space<vmem>>, vector<16xf32>,
        %add3A_296 = arith.addf %scan3A_279, %get3A_295 : vector<16xf32>
        %mul3A_297 = arith.mulf %gather3A, %get3A_295 : vector<16xf32>
        %add3A_298 = arith.addf %scan3A_283, %mul3A_297 : vector<16xf32>
        %get3A_299 = arith.constant 0 : i32
        %get3A_300 = arith.constant 0 : i32
        %get3A_301 = tpu.memref_slice %arg10[%scan3A_120, %get3A_299, %get3A_300] : memref<2x200x64xf32, #tpu.memory_space<vmem>> -> memref<1x200x64xf32, #tpu.memory_space<vmem>>
        %get3A_302 = tpu.memref_squeeze %get3A_301 : memref<1x200x64xf32, #tpu.memory_space<vmem>> -> memref<200x64xf32, #tpu.memory_space<vmem>>
        %get3A_303 = arith.index_cast %scan3A_278 : i32 to index
        %get3A_304 = arith.constant 16 : index
        %get3A_305 = tpu.vector_load %get3A_302[%get3A_303, %get3A_304] {strides = array<i32>} : memref<200x64xf32, #tpu.memory_space<vmem>>, vector<16xf32>,
        %add3A_306 = arith.addf %scan3A_280, %get3A_305 : vector<16xf32>
        %mul3A_307 = arith.mulf %gather3A, %get3A_305 : vector<16xf32>
        %add3A_308 = arith.addf %scan3A_284, %mul3A_307 : vector<16xf32>
        %get3A_309 = arith.constant 0 : i32
        %get3A_310 = arith.constant 0 : i32
        %get3A_311 = tpu.memref_slice %arg10[%scan3A_120, %get3A_309, %get3A_310] : memref<2x200x64xf32, #tpu.memory_space<vmem>> -> memref<1x200x64xf32, #tpu.memory_space<vmem>>
        %get3A_312 = tpu.memref_squeeze %get3A_311 : memref<1x200x64xf32, #tpu.memory_space<vmem>> -> memref<200x64xf32, #tpu.memory_space<vmem>>
        %get3A_313 = arith.index_cast %scan3A_278 : i32 to index
        %get3A_314 = arith.constant 32 : index
        %get3A_315 = tpu.vector_load %get3A_312[%get3A_313, %get3A_314] {strides = array<i32>} : memref<200x64xf32, #tpu.memory_space<vmem>>, vector<16xf32>,
        %add3A_316 = arith.addf %scan3A_281, %get3A_315 : vector<16xf32>
        %mul3A_317 = arith.mulf %gather3A, %get3A_315 : vector<16xf32>
        %add3A_318 = arith.addf %scan3A_285, %mul3A_317 : vector<16xf32>
        %get3A_319 = arith.constant 0 : i32
        %get3A_320 = arith.constant 0 : i32
        %get3A_321 = tpu.memref_slice %arg10[%scan3A_120, %get3A_319, %get3A_320] : memref<2x200x64xf32, #tpu.memory_space<vmem>> -> memref<1x200x64xf32, #tpu.memory_space<vmem>>
        %get3A_322 = tpu.memref_squeeze %get3A_321 : memref<1x200x64xf32, #tpu.memory_space<vmem>> -> memref<200x64xf32, #tpu.memory_space<vmem>>
        %get3A_323 = arith.index_cast %scan3A_278 : i32 to index
        %get3A_324 = arith.constant 48 : index
        %get3A_325 = tpu.vector_load %get3A_322[%get3A_323, %get3A_324] {strides = array<i32>} : memref<200x64xf32, #tpu.memory_space<vmem>>, vector<16xf32>,
        %add3A_326 = arith.addf %scan3A_282, %get3A_325 : vector<16xf32>
        %mul3A_327 = arith.mulf %gather3A, %get3A_325 : vector<16xf32>
        %add3A_328 = arith.addf %scan3A_286, %mul3A_327 : vector<16xf32>
        scf.yield %add3A_296, %add3A_306, %add3A_316, %add3A_326, %add3A_298, %add3A_308, %add3A_318, %add3A_328 : vector<16xf32>, vector<16xf32>, vector<16xf32>, vector<16xf32>, vector<16xf32>, vector<16xf32>, vector<16xf32>, vector<16xf32>
      }
      %scan3A_126 = arith.constant 199 : i32
      %swap3A = arith.index_cast %add3A_63 : i32 to index
      %swap3A_127 = arith.constant 0 : index
      %swap3A_128 = tpu.vector_load %arg11[%swap3A, %swap3A_127] {strides = array<i32>} : memref<128x64xf32, #tpu.memory_space<vmem>>, vector<16xf32>,
      tpu.vector_store %arg11[%swap3A, %swap3A_127], %scan3A_125#0 {strides = array<i32>} : memref<128x64xf32, #tpu.memory_space<vmem>>, vector<16xf32>,
      %swap3A_129 = arith.index_cast %add3A_63 : i32 to index
      %swap3A_130 = arith.constant 0 : index
      %swap3A_131 = tpu.vector_load %arg12[%swap3A_129, %swap3A_130] {strides = array<i32>} : memref<128x64xf32, #tpu.memory_space<vmem>>, vector<16xf32>,
      tpu.vector_store %arg12[%swap3A_129, %swap3A_130], %scan3A_125#4 {strides = array<i32>} : memref<128x64xf32, #tpu.memory_space<vmem>>, vector<16xf32>,
      %swap3A_132 = arith.index_cast %add3A_63 : i32 to index
      %swap3A_133 = arith.constant 0 : index
      %swap3A_134 = tpu.vector_load %arg13[%swap3A_132, %swap3A_133] {strides = array<i32>} : memref<128x64xf32, #tpu.memory_space<vmem>>, vector<16xf32>,
      tpu.vector_store %arg13[%swap3A_132, %swap3A_133], %get3A_92 {strides = array<i32>} : memref<128x64xf32, #tpu.memory_space<vmem>>, vector<16xf32>,
      %swap3A_135 = arith.index_cast %add3A_63 : i32 to index
      %swap3A_136 = arith.constant 16 : index
      %swap3A_137 = tpu.vector_load %arg11[%swap3A_135, %swap3A_136] {strides = array<i32>} : memref<128x64xf32, #tpu.memory_space<vmem>>, vector<16xf32>,
      tpu.vector_store %arg11[%swap3A_135, %swap3A_136], %scan3A_125#1 {strides = array<i32>} : memref<128x64xf32, #tpu.memory_space<vmem>>, vector<16xf32>,
      %swap3A_138 = arith.index_cast %add3A_63 : i32 to index
      %swap3A_139 = arith.constant 16 : index
      %swap3A_140 = tpu.vector_load %arg12[%swap3A_138, %swap3A_139] {strides = array<i32>} : memref<128x64xf32, #tpu.memory_space<vmem>>, vector<16xf32>,
      tpu.vector_store %arg12[%swap3A_138, %swap3A_139], %scan3A_125#5 {strides = array<i32>} : memref<128x64xf32, #tpu.memory_space<vmem>>, vector<16xf32>,
      %swap3A_141 = arith.index_cast %add3A_63 : i32 to index
      %swap3A_142 = arith.constant 16 : index
      %swap3A_143 = tpu.vector_load %arg13[%swap3A_141, %swap3A_142] {strides = array<i32>} : memref<128x64xf32, #tpu.memory_space<vmem>>, vector<16xf32>,
      tpu.vector_store %arg13[%swap3A_141, %swap3A_142], %get3A_101 {strides = array<i32>} : memref<128x64xf32, #tpu.memory_space<vmem>>, vector<16xf32>,
      %swap3A_144 = arith.index_cast %add3A_63 : i32 to index
      %swap3A_145 = arith.constant 32 : index
      %swap3A_146 = tpu.vector_load %arg11[%swap3A_144, %swap3A_145] {strides = array<i32>} : memref<128x64xf32, #tpu.memory_space<vmem>>, vector<16xf32>,
      tpu.vector_store %arg11[%swap3A_144, %swap3A_145], %scan3A_125#2 {strides = array<i32>} : memref<128x64xf32, #tpu.memory_space<vmem>>, vector<16xf32>,
      %swap3A_147 = arith.index_cast %add3A_63 : i32 to index
      %swap3A_148 = arith.constant 32 : index
      %swap3A_149 = tpu.vector_load %arg12[%swap3A_147, %swap3A_148] {strides = array<i32>} : memref<128x64xf32, #tpu.memory_space<vmem>>, vector<16xf32>,
      tpu.vector_store %arg12[%swap3A_147, %swap3A_148], %scan3A_125#6 {strides = array<i32>} : memref<128x64xf32, #tpu.memory_space<vmem>>, vector<16xf32>,
      %swap3A_150 = arith.index_cast %add3A_63 : i32 to index
      %swap3A_151 = arith.constant 32 : index
      %swap3A_152 = tpu.vector_load %arg13[%swap3A_150, %swap3A_151] {strides = array<i32>} : memref<128x64xf32, #tpu.memory_space<vmem>>, vector<16xf32>,
      tpu.vector_store %arg13[%swap3A_150, %swap3A_151], %get3A_110 {strides = array<i32>} : memref<128x64xf32, #tpu.memory_space<vmem>>, vector<16xf32>,
      %swap3A_153 = arith.index_cast %add3A_63 : i32 to index
      %swap3A_154 = arith.constant 48 : index
      %swap3A_155 = tpu.vector_load %arg11[%swap3A_153, %swap3A_154] {strides = array<i32>} : memref<128x64xf32, #tpu.memory_space<vmem>>, vector<16xf32>,
      tpu.vector_store %arg11[%swap3A_153, %swap3A_154], %scan3A_125#3 {strides = array<i32>} : memref<128x64xf32, #tpu.memory_space<vmem>>, vector<16xf32>,
      %swap3A_156 = arith.index_cast %add3A_63 : i32 to index
      %swap3A_157 = arith.constant 48 : index
      %swap3A_158 = tpu.vector_load %arg12[%swap3A_156, %swap3A_157] {strides = array<i32>} : memref<128x64xf32, #tpu.memory_space<vmem>>, vector<16xf32>,
      tpu.vector_store %arg12[%swap3A_156, %swap3A_157], %scan3A_125#7 {strides = array<i32>} : memref<128x64xf32, #tpu.memory_space<vmem>>, vector<16xf32>,
      %swap3A_159 = arith.index_cast %add3A_63 : i32 to index
      %swap3A_160 = arith.constant 48 : index
      %swap3A_161 = tpu.vector_load %arg13[%swap3A_159, %swap3A_160] {strides = array<i32>} : memref<128x64xf32, #tpu.memory_space<vmem>>, vector<16xf32>,
      tpu.vector_store %arg13[%swap3A_159, %swap3A_160], %get3A_119 {strides = array<i32>} : memref<128x64xf32, #tpu.memory_space<vmem>>, vector<16xf32>,
      %add3A_162 = arith.constant 2 : i32
      %add3A_163 = arith.addi %add3A_63, %add3A_162 : i32
      %lt3A = arith.constant 128 : i32
      %lt3A_164 = arith.cmpi slt, %add3A_163, %lt3A : i32
      %convert_element_type3A = arith.extui %lt3A_164 : i1 to i32
      %cond3A = arith.constant 0 : i32
      %cond3A_165 = arith.cmpi ne, %convert_element_type3A, %cond3A : i32
      scf.if %cond3A_165 {
        %add3A_278 = arith.constant 2 : i32
        %add3A_279 = arith.addi %add3A_63, %add3A_278 : i32
        %dma_start3A_280 = arith.constant 0 : i32
        %dma_start3A_281 = arith.constant 0 : i32
        %dma_start3A_282 = arith.constant 0 : i32
        %dma_start3A_283 = tpu.memref_slice %arg10[%dma_start3A_280, %dma_start3A_281, %dma_start3A_282] : memref<2x200x64xf32, #tpu.memory_space<vmem>> -> memref<1x104x64xf32, #tpu.memory_space<vmem>>
        %dma_start3A_284 = tpu.memref_squeeze %dma_start3A_283 : memref<1x104x64xf32, #tpu.memory_space<vmem>> -> memref<104x64xf32, #tpu.memory_space<vmem>>
        %dma_start3A_285 = arith.constant 0 : i32
        %dma_start3A_286 = tpu.memref_slice %arg8[%add3A_279, %dma_start3A_285] : memref<128x200xi32, #tpu.memory_space<vmem>> -> memref<1x104xi32, #tpu.memory_space<vmem>>
        %dma_start3A_287 = tpu.memref_squeeze %dma_start3A_286 : memref<1x104xi32, #tpu.memory_space<vmem>> -> memref<104xi32, #tpu.memory_space<vmem>>
        %dma_start3A_288 = arith.constant 0 : i32
        %dma_start3A_289 = arith.constant 0 : i32
        %dma_start3A_290 = tpu.memref_slice %arg4[%dma_start3A_288, %dma_start3A_289] : memref<1000000x64xf32, #tpu.memory_space<hbm>> -> memref<1000000x64xf32, #tpu.memory_space<hbm>>
        tpu.enqueue_indirect_dma source(%dma_start3A_290 : memref<1000000x64xf32, #tpu.memory_space<hbm>>) target(%dma_start3A_284 : memref<104x64xf32, #tpu.memory_space<vmem>>) offsets(%dma_start3A_287 : memref<104xi32, #tpu.memory_space<vmem>>) semaphore(%arg14 : memref<!tpu.dma_semaphore, #tpu.memory_space<semaphore_mem>>)
        %dma_start3A_291 = arith.constant 0 : i32
        %dma_start3A_292 = arith.constant 104 : i32
        %dma_start3A_293 = arith.constant 0 : i32
        %dma_start3A_294 = tpu.memref_slice %arg10[%dma_start3A_291, %dma_start3A_292, %dma_start3A_293] : memref<2x200x64xf32, #tpu.memory_space<vmem>> -> memref<1x96x64xf32, #tpu.memory_space<vmem>>
        %dma_start3A_295 = tpu.memref_squeeze %dma_start3A_294 : memref<1x96x64xf32, #tpu.memory_space<vmem>> -> memref<96x64xf32, #tpu.memory_space<vmem>>
        %dma_start3A_296 = arith.constant 104 : i32
        %dma_start3A_297 = tpu.memref_slice %arg8[%add3A_279, %dma_start3A_296] : memref<128x200xi32, #tpu.memory_space<vmem>> -> memref<1x96xi32, #tpu.memory_space<vmem>>
        %dma_start3A_298 = tpu.memref_squeeze %dma_start3A_297 : memref<1x96xi32, #tpu.memory_space<vmem>> -> memref<96xi32, #tpu.memory_space<vmem>>
        %dma_start3A_299 = arith.constant 0 : i32
        %dma_start3A_300 = arith.constant 0 : i32
        %dma_start3A_301 = tpu.memref_slice %arg4[%dma_start3A_299, %dma_start3A_300] : memref<1000000x64xf32, #tpu.memory_space<hbm>> -> memref<1000000x64xf32, #tpu.memory_space<hbm>>
        tpu.enqueue_indirect_dma source(%dma_start3A_301 : memref<1000000x64xf32, #tpu.memory_space<hbm>>) target(%dma_start3A_295 : memref<96x64xf32, #tpu.memory_space<vmem>>) offsets(%dma_start3A_298 : memref<96xi32, #tpu.memory_space<vmem>>) semaphore(%arg14 : memref<!tpu.dma_semaphore, #tpu.memory_space<semaphore_mem>>)
      } else {
      }
      %mul3A_166 = arith.constant 2 : i32
      %mul3A_167 = arith.muli %add3A_59, %mul3A_166 : i32
      %add3A_168 = arith.constant 1 : i32
      %add3A_169 = arith.addi %mul3A_167, %add3A_168 : i32
      %dma_wait3A_170 = arith.constant 1 : i32
      %dma_wait3A_171 = arith.constant 0 : i32
      %dma_wait3A_172 = arith.constant 0 : i32
      %dma_wait3A_173 = tpu.memref_slice %arg10[%dma_wait3A_170, %dma_wait3A_171, %dma_wait3A_172] : memref<2x200x64xf32, #tpu.memory_space<vmem>> -> memref<1x104x64xf32, #tpu.memory_space<vmem>>
      %dma_wait3A_174 = tpu.memref_squeeze %dma_wait3A_173 : memref<1x104x64xf32, #tpu.memory_space<vmem>> -> memref<104x64xf32, #tpu.memory_space<vmem>>
      %dma_wait3A_175 = arith.constant 0 : i32
      %dma_wait3A_176 = tpu.memref_slice %arg8[%add3A_169, %dma_wait3A_175] : memref<128x200xi32, #tpu.memory_space<vmem>> -> memref<1x104xi32, #tpu.memory_space<vmem>>
      %dma_wait3A_177 = tpu.memref_squeeze %dma_wait3A_176 : memref<1x104xi32, #tpu.memory_space<vmem>> -> memref<104xi32, #tpu.memory_space<vmem>>
      %dma_wait3A_178 = arith.constant 0 : i32
      %dma_wait3A_179 = arith.constant 0 : i32
      %dma_wait3A_180 = tpu.memref_slice %arg4[%dma_wait3A_178, %dma_wait3A_179] : memref<1000000x64xf32, #tpu.memory_space<hbm>> -> memref<1000000x64xf32, #tpu.memory_space<hbm>>
      tpu.wait_indirect_dma semaphore(%arg15 : memref<!tpu.dma_semaphore, #tpu.memory_space<semaphore_mem>>) src(%dma_wait3A_180 : memref<1000000x64xf32, #tpu.memory_space<hbm>>) dst(%dma_wait3A_174 : memref<104x64xf32, #tpu.memory_space<vmem>>)
      %dma_wait3A_181 = arith.constant 1 : i32
      %dma_wait3A_182 = arith.constant 104 : i32
      %dma_wait3A_183 = arith.constant 0 : i32
      %dma_wait3A_184 = tpu.memref_slice %arg10[%dma_wait3A_181, %dma_wait3A_182, %dma_wait3A_183] : memref<2x200x64xf32, #tpu.memory_space<vmem>> -> memref<1x96x64xf32, #tpu.memory_space<vmem>>
      %dma_wait3A_185 = tpu.memref_squeeze %dma_wait3A_184 : memref<1x96x64xf32, #tpu.memory_space<vmem>> -> memref<96x64xf32, #tpu.memory_space<vmem>>
      %dma_wait3A_186 = arith.constant 104 : i32
      %dma_wait3A_187 = tpu.memref_slice %arg8[%add3A_169, %dma_wait3A_186] : memref<128x200xi32, #tpu.memory_space<vmem>> -> memref<1x96xi32, #tpu.memory_space<vmem>>
      %dma_wait3A_188 = tpu.memref_squeeze %dma_wait3A_187 : memref<1x96xi32, #tpu.memory_space<vmem>> -> memref<96xi32, #tpu.memory_space<vmem>>
      %dma_wait3A_189 = arith.constant 0 : i32
      %dma_wait3A_190 = arith.constant 0 : i32
      %dma_wait3A_191 = tpu.memref_slice %arg4[%dma_wait3A_189, %dma_wait3A_190] : memref<1000000x64xf32, #tpu.memory_space<hbm>> -> memref<1000000x64xf32, #tpu.memory_space<hbm>>
      tpu.wait_indirect_dma semaphore(%arg15 : memref<!tpu.dma_semaphore, #tpu.memory_space<semaphore_mem>>) src(%dma_wait3A_191 : memref<1000000x64xf32, #tpu.memory_space<hbm>>) dst(%dma_wait3A_185 : memref<96x64xf32, #tpu.memory_space<vmem>>)
      %get3A_192 = arith.constant 1 : i32
      %get3A_193 = arith.constant 0 : i32
      %get3A_194 = arith.constant 0 : i32
      %get3A_195 = arith.constant 0 : i32
      %get3A_196 = tpu.memref_slice %arg10[%get3A_192, %get3A_194, %get3A_195] : memref<2x200x64xf32, #tpu.memory_space<vmem>> -> memref<1x200x64xf32, #tpu.memory_space<vmem>>
      %get3A_197 = tpu.memref_squeeze %get3A_196 : memref<1x200x64xf32, #tpu.memory_space<vmem>> -> memref<200x64xf32, #tpu.memory_space<vmem>>
      %get3A_198 = arith.index_cast %get3A_193 : i32 to index
      %get3A_199 = arith.constant 0 : index
      %get3A_200 = tpu.vector_load %get3A_197[%get3A_198, %get3A_199] {strides = array<i32>} : memref<200x64xf32, #tpu.memory_space<vmem>>, vector<16xf32>,
      %get3A_201 = arith.constant 1 : i32
      %get3A_202 = arith.constant 0 : i32
      %get3A_203 = arith.constant 0 : i32
      %get3A_204 = arith.constant 0 : i32
      %get3A_205 = tpu.memref_slice %arg10[%get3A_201, %get3A_203, %get3A_204] : memref<2x200x64xf32, #tpu.memory_space<vmem>> -> memref<1x200x64xf32, #tpu.memory_space<vmem>>
      %get3A_206 = tpu.memref_squeeze %get3A_205 : memref<1x200x64xf32, #tpu.memory_space<vmem>> -> memref<200x64xf32, #tpu.memory_space<vmem>>
      %get3A_207 = arith.index_cast %get3A_202 : i32 to index
      %get3A_208 = arith.constant 16 : index
      %get3A_209 = tpu.vector_load %get3A_206[%get3A_207, %get3A_208] {strides = array<i32>} : memref<200x64xf32, #tpu.memory_space<vmem>>, vector<16xf32>,
      %get3A_210 = arith.constant 1 : i32
      %get3A_211 = arith.constant 0 : i32
      %get3A_212 = arith.constant 0 : i32
      %get3A_213 = arith.constant 0 : i32
      %get3A_214 = tpu.memref_slice %arg10[%get3A_210, %get3A_212, %get3A_213] : memref<2x200x64xf32, #tpu.memory_space<vmem>> -> memref<1x200x64xf32, #tpu.memory_space<vmem>>
      %get3A_215 = tpu.memref_squeeze %get3A_214 : memref<1x200x64xf32, #tpu.memory_space<vmem>> -> memref<200x64xf32, #tpu.memory_space<vmem>>
      %get3A_216 = arith.index_cast %get3A_211 : i32 to index
      %get3A_217 = arith.constant 32 : index
      %get3A_218 = tpu.vector_load %get3A_215[%get3A_216, %get3A_217] {strides = array<i32>} : memref<200x64xf32, #tpu.memory_space<vmem>>, vector<16xf32>,
      %get3A_219 = arith.constant 1 : i32
      %get3A_220 = arith.constant 0 : i32
      %get3A_221 = arith.constant 0 : i32
      %get3A_222 = arith.constant 0 : i32
      %get3A_223 = tpu.memref_slice %arg10[%get3A_219, %get3A_221, %get3A_222] : memref<2x200x64xf32, #tpu.memory_space<vmem>> -> memref<1x200x64xf32, #tpu.memory_space<vmem>>
      %get3A_224 = tpu.memref_squeeze %get3A_223 : memref<1x200x64xf32, #tpu.memory_space<vmem>> -> memref<200x64xf32, #tpu.memory_space<vmem>>
      %get3A_225 = arith.index_cast %get3A_220 : i32 to index
      %get3A_226 = arith.constant 48 : index
      %get3A_227 = tpu.vector_load %get3A_224[%get3A_225, %get3A_226] {strides = array<i32>} : memref<200x64xf32, #tpu.memory_space<vmem>>, vector<16xf32>,
      %scan3A_228 = arith.constant 1 : i32
      %scan3A_229 = arith.constant 1 : i32
      %scan3A_230 = arith.constant 199 : i32
      %scan3A_231 = arith.addi %scan3A_229, %scan3A_230 : i32
      %scan3A_232 = arith.constant 1 : i32
      %scan3A_233:8 = scf.for %scan3A_278 = %scan3A_229 to %scan3A_231 step %scan3A_232 iter_args(%scan3A_279 = %get3A_200, %scan3A_280 = %get3A_209, %scan3A_281 = %get3A_218, %scan3A_282 = %get3A_227, %scan3A_283 = %broadcast_in_dim3A_3, %scan3A_284 = %broadcast_in_dim3A_3, %scan3A_285 = %broadcast_in_dim3A_3, %scan3A_286 = %broadcast_in_dim3A_3) -> (vector<16xf32>, vector<16xf32>, vector<16xf32>, vector<16xf32>, vector<16xf32>, vector<16xf32>, vector<16xf32>, vector<16xf32>)  : i32 {
        %broadcast_in_dim3A_287 = vector.broadcast %scan3A_278 : i32 to vector<16xi32>
        %broadcast_in_dim3A_288 = vector.broadcast %add3A_169 : i32 to vector<16xi32>
        %gather3A = tpu.vector_load_idx %arg9[%broadcast_in_dim3A_288, %broadcast_in_dim3A_287] : memref<128x200xf32, #tpu.memory_space<vmem>>[vector<16xi32>, vector<16xi32>], vector<16xf32>,
        %get3A_289 = arith.constant 0 : i32
        %get3A_290 = arith.constant 0 : i32
        %get3A_291 = tpu.memref_slice %arg10[%scan3A_228, %get3A_289, %get3A_290] : memref<2x200x64xf32, #tpu.memory_space<vmem>> -> memref<1x200x64xf32, #tpu.memory_space<vmem>>
        %get3A_292 = tpu.memref_squeeze %get3A_291 : memref<1x200x64xf32, #tpu.memory_space<vmem>> -> memref<200x64xf32, #tpu.memory_space<vmem>>
        %get3A_293 = arith.index_cast %scan3A_278 : i32 to index
        %get3A_294 = arith.constant 0 : index
        %get3A_295 = tpu.vector_load %get3A_292[%get3A_293, %get3A_294] {strides = array<i32>} : memref<200x64xf32, #tpu.memory_space<vmem>>, vector<16xf32>,
        %add3A_296 = arith.addf %scan3A_279, %get3A_295 : vector<16xf32>
        %mul3A_297 = arith.mulf %gather3A, %get3A_295 : vector<16xf32>
        %add3A_298 = arith.addf %scan3A_283, %mul3A_297 : vector<16xf32>
        %get3A_299 = arith.constant 0 : i32
        %get3A_300 = arith.constant 0 : i32
        %get3A_301 = tpu.memref_slice %arg10[%scan3A_228, %get3A_299, %get3A_300] : memref<2x200x64xf32, #tpu.memory_space<vmem>> -> memref<1x200x64xf32, #tpu.memory_space<vmem>>
        %get3A_302 = tpu.memref_squeeze %get3A_301 : memref<1x200x64xf32, #tpu.memory_space<vmem>> -> memref<200x64xf32, #tpu.memory_space<vmem>>
        %get3A_303 = arith.index_cast %scan3A_278 : i32 to index
        %get3A_304 = arith.constant 16 : index
        %get3A_305 = tpu.vector_load %get3A_302[%get3A_303, %get3A_304] {strides = array<i32>} : memref<200x64xf32, #tpu.memory_space<vmem>>, vector<16xf32>,
        %add3A_306 = arith.addf %scan3A_280, %get3A_305 : vector<16xf32>
        %mul3A_307 = arith.mulf %gather3A, %get3A_305 : vector<16xf32>
        %add3A_308 = arith.addf %scan3A_284, %mul3A_307 : vector<16xf32>
        %get3A_309 = arith.constant 0 : i32
        %get3A_310 = arith.constant 0 : i32
        %get3A_311 = tpu.memref_slice %arg10[%scan3A_228, %get3A_309, %get3A_310] : memref<2x200x64xf32, #tpu.memory_space<vmem>> -> memref<1x200x64xf32, #tpu.memory_space<vmem>>
        %get3A_312 = tpu.memref_squeeze %get3A_311 : memref<1x200x64xf32, #tpu.memory_space<vmem>> -> memref<200x64xf32, #tpu.memory_space<vmem>>
        %get3A_313 = arith.index_cast %scan3A_278 : i32 to index
        %get3A_314 = arith.constant 32 : index
        %get3A_315 = tpu.vector_load %get3A_312[%get3A_313, %get3A_314] {strides = array<i32>} : memref<200x64xf32, #tpu.memory_space<vmem>>, vector<16xf32>,
        %add3A_316 = arith.addf %scan3A_281, %get3A_315 : vector<16xf32>
        %mul3A_317 = arith.mulf %gather3A, %get3A_315 : vector<16xf32>
        %add3A_318 = arith.addf %scan3A_285, %mul3A_317 : vector<16xf32>
        %get3A_319 = arith.constant 0 : i32
        %get3A_320 = arith.constant 0 : i32
        %get3A_321 = tpu.memref_slice %arg10[%scan3A_228, %get3A_319, %get3A_320] : memref<2x200x64xf32, #tpu.memory_space<vmem>> -> memref<1x200x64xf32, #tpu.memory_space<vmem>>
        %get3A_322 = tpu.memref_squeeze %get3A_321 : memref<1x200x64xf32, #tpu.memory_space<vmem>> -> memref<200x64xf32, #tpu.memory_space<vmem>>
        %get3A_323 = arith.index_cast %scan3A_278 : i32 to index
        %get3A_324 = arith.constant 48 : index
        %get3A_325 = tpu.vector_load %get3A_322[%get3A_323, %get3A_324] {strides = array<i32>} : memref<200x64xf32, #tpu.memory_space<vmem>>, vector<16xf32>,
        %add3A_326 = arith.addf %scan3A_282, %get3A_325 : vector<16xf32>
        %mul3A_327 = arith.mulf %gather3A, %get3A_325 : vector<16xf32>
        %add3A_328 = arith.addf %scan3A_286, %mul3A_327 : vector<16xf32>
        scf.yield %add3A_296, %add3A_306, %add3A_316, %add3A_326, %add3A_298, %add3A_308, %add3A_318, %add3A_328 : vector<16xf32>, vector<16xf32>, vector<16xf32>, vector<16xf32>, vector<16xf32>, vector<16xf32>, vector<16xf32>, vector<16xf32>
      }
      %scan3A_234 = arith.constant 199 : i32
      %swap3A_235 = arith.index_cast %add3A_169 : i32 to index
      %swap3A_236 = arith.constant 0 : index
      %swap3A_237 = tpu.vector_load %arg11[%swap3A_235, %swap3A_236] {strides = array<i32>} : memref<128x64xf32, #tpu.memory_space<vmem>>, vector<16xf32>,
      tpu.vector_store %arg11[%swap3A_235, %swap3A_236], %scan3A_233#0 {strides = array<i32>} : memref<128x64xf32, #tpu.memory_space<vmem>>, vector<16xf32>,
      %swap3A_238 = arith.index_cast %add3A_169 : i32 to index
      %swap3A_239 = arith.constant 0 : index
      %swap3A_240 = tpu.vector_load %arg12[%swap3A_238, %swap3A_239] {strides = array<i32>} : memref<128x64xf32, #tpu.memory_space<vmem>>, vector<16xf32>,
      tpu.vector_store %arg12[%swap3A_238, %swap3A_239], %scan3A_233#4 {strides = array<i32>} : memref<128x64xf32, #tpu.memory_space<vmem>>, vector<16xf32>,
      %swap3A_241 = arith.index_cast %add3A_169 : i32 to index
      %swap3A_242 = arith.constant 0 : index
      %swap3A_243 = tpu.vector_load %arg13[%swap3A_241, %swap3A_242] {strides = array<i32>} : memref<128x64xf32, #tpu.memory_space<vmem>>, vector<16xf32>,
      tpu.vector_store %arg13[%swap3A_241, %swap3A_242], %get3A_200 {strides = array<i32>} : memref<128x64xf32, #tpu.memory_space<vmem>>, vector<16xf32>,
      %swap3A_244 = arith.index_cast %add3A_169 : i32 to index
      %swap3A_245 = arith.constant 16 : index
      %swap3A_246 = tpu.vector_load %arg11[%swap3A_244, %swap3A_245] {strides = array<i32>} : memref<128x64xf32, #tpu.memory_space<vmem>>, vector<16xf32>,
      tpu.vector_store %arg11[%swap3A_244, %swap3A_245], %scan3A_233#1 {strides = array<i32>} : memref<128x64xf32, #tpu.memory_space<vmem>>, vector<16xf32>,
      %swap3A_247 = arith.index_cast %add3A_169 : i32 to index
      %swap3A_248 = arith.constant 16 : index
      %swap3A_249 = tpu.vector_load %arg12[%swap3A_247, %swap3A_248] {strides = array<i32>} : memref<128x64xf32, #tpu.memory_space<vmem>>, vector<16xf32>,
      tpu.vector_store %arg12[%swap3A_247, %swap3A_248], %scan3A_233#5 {strides = array<i32>} : memref<128x64xf32, #tpu.memory_space<vmem>>, vector<16xf32>,
      %swap3A_250 = arith.index_cast %add3A_169 : i32 to index
      %swap3A_251 = arith.constant 16 : index
      %swap3A_252 = tpu.vector_load %arg13[%swap3A_250, %swap3A_251] {strides = array<i32>} : memref<128x64xf32, #tpu.memory_space<vmem>>, vector<16xf32>,
      tpu.vector_store %arg13[%swap3A_250, %swap3A_251], %get3A_209 {strides = array<i32>} : memref<128x64xf32, #tpu.memory_space<vmem>>, vector<16xf32>,
      %swap3A_253 = arith.index_cast %add3A_169 : i32 to index
      %swap3A_254 = arith.constant 32 : index
      %swap3A_255 = tpu.vector_load %arg11[%swap3A_253, %swap3A_254] {strides = array<i32>} : memref<128x64xf32, #tpu.memory_space<vmem>>, vector<16xf32>,
      tpu.vector_store %arg11[%swap3A_253, %swap3A_254], %scan3A_233#2 {strides = array<i32>} : memref<128x64xf32, #tpu.memory_space<vmem>>, vector<16xf32>,
      %swap3A_256 = arith.index_cast %add3A_169 : i32 to index
      %swap3A_257 = arith.constant 32 : index
      %swap3A_258 = tpu.vector_load %arg12[%swap3A_256, %swap3A_257] {strides = array<i32>} : memref<128x64xf32, #tpu.memory_space<vmem>>, vector<16xf32>,
      tpu.vector_store %arg12[%swap3A_256, %swap3A_257], %scan3A_233#6 {strides = array<i32>} : memref<128x64xf32, #tpu.memory_space<vmem>>, vector<16xf32>,
      %swap3A_259 = arith.index_cast %add3A_169 : i32 to index
      %swap3A_260 = arith.constant 32 : index
      %swap3A_261 = tpu.vector_load %arg13[%swap3A_259, %swap3A_260] {strides = array<i32>} : memref<128x64xf32, #tpu.memory_space<vmem>>, vector<16xf32>,
      tpu.vector_store %arg13[%swap3A_259, %swap3A_260], %get3A_218 {strides = array<i32>} : memref<128x64xf32, #tpu.memory_space<vmem>>, vector<16xf32>,
      %swap3A_262 = arith.index_cast %add3A_169 : i32 to index
      %swap3A_263 = arith.constant 48 : index
      %swap3A_264 = tpu.vector_load %arg11[%swap3A_262, %swap3A_263] {strides = array<i32>} : memref<128x64xf32, #tpu.memory_space<vmem>>, vector<16xf32>,
      tpu.vector_store %arg11[%swap3A_262, %swap3A_263], %scan3A_233#3 {strides = array<i32>} : memref<128x64xf32, #tpu.memory_space<vmem>>, vector<16xf32>,
      %swap3A_265 = arith.index_cast %add3A_169 : i32 to index
      %swap3A_266 = arith.constant 48 : index
      %swap3A_267 = tpu.vector_load %arg12[%swap3A_265, %swap3A_266] {strides = array<i32>} : memref<128x64xf32, #tpu.memory_space<vmem>>, vector<16xf32>,
      tpu.vector_store %arg12[%swap3A_265, %swap3A_266], %scan3A_233#7 {strides = array<i32>} : memref<128x64xf32, #tpu.memory_space<vmem>>, vector<16xf32>,
      %swap3A_268 = arith.index_cast %add3A_169 : i32 to index
      %swap3A_269 = arith.constant 48 : index
      %swap3A_270 = tpu.vector_load %arg13[%swap3A_268, %swap3A_269] {strides = array<i32>} : memref<128x64xf32, #tpu.memory_space<vmem>>, vector<16xf32>,
      tpu.vector_store %arg13[%swap3A_268, %swap3A_269], %get3A_227 {strides = array<i32>} : memref<128x64xf32, #tpu.memory_space<vmem>>, vector<16xf32>,
      %add3A_271 = arith.constant 2 : i32
      %add3A_272 = arith.addi %add3A_169, %add3A_271 : i32
      %lt3A_273 = arith.constant 128 : i32
      %lt3A_274 = arith.cmpi slt, %add3A_272, %lt3A_273 : i32
      %convert_element_type3A_275 = arith.extui %lt3A_274 : i1 to i32
      %cond3A_276 = arith.constant 0 : i32
      %cond3A_277 = arith.cmpi ne, %convert_element_type3A_275, %cond3A_276 : i32
      scf.if %cond3A_277 {
        %add3A_278 = arith.constant 2 : i32
        %add3A_279 = arith.addi %add3A_169, %add3A_278 : i32
        %dma_start3A_280 = arith.constant 1 : i32
        %dma_start3A_281 = arith.constant 0 : i32
        %dma_start3A_282 = arith.constant 0 : i32
        %dma_start3A_283 = tpu.memref_slice %arg10[%dma_start3A_280, %dma_start3A_281, %dma_start3A_282] : memref<2x200x64xf32, #tpu.memory_space<vmem>> -> memref<1x104x64xf32, #tpu.memory_space<vmem>>
        %dma_start3A_284 = tpu.memref_squeeze %dma_start3A_283 : memref<1x104x64xf32, #tpu.memory_space<vmem>> -> memref<104x64xf32, #tpu.memory_space<vmem>>
        %dma_start3A_285 = arith.constant 0 : i32
        %dma_start3A_286 = tpu.memref_slice %arg8[%add3A_279, %dma_start3A_285] : memref<128x200xi32, #tpu.memory_space<vmem>> -> memref<1x104xi32, #tpu.memory_space<vmem>>
        %dma_start3A_287 = tpu.memref_squeeze %dma_start3A_286 : memref<1x104xi32, #tpu.memory_space<vmem>> -> memref<104xi32, #tpu.memory_space<vmem>>
        %dma_start3A_288 = arith.constant 0 : i32
        %dma_start3A_289 = arith.constant 0 : i32
        %dma_start3A_290 = tpu.memref_slice %arg4[%dma_start3A_288, %dma_start3A_289] : memref<1000000x64xf32, #tpu.memory_space<hbm>> -> memref<1000000x64xf32, #tpu.memory_space<hbm>>
        tpu.enqueue_indirect_dma source(%dma_start3A_290 : memref<1000000x64xf32, #tpu.memory_space<hbm>>) target(%dma_start3A_284 : memref<104x64xf32, #tpu.memory_space<vmem>>) offsets(%dma_start3A_287 : memref<104xi32, #tpu.memory_space<vmem>>) semaphore(%arg15 : memref<!tpu.dma_semaphore, #tpu.memory_space<semaphore_mem>>)
        %dma_start3A_291 = arith.constant 1 : i32
        %dma_start3A_292 = arith.constant 104 : i32
        %dma_start3A_293 = arith.constant 0 : i32
        %dma_start3A_294 = tpu.memref_slice %arg10[%dma_start3A_291, %dma_start3A_292, %dma_start3A_293] : memref<2x200x64xf32, #tpu.memory_space<vmem>> -> memref<1x96x64xf32, #tpu.memory_space<vmem>>
        %dma_start3A_295 = tpu.memref_squeeze %dma_start3A_294 : memref<1x96x64xf32, #tpu.memory_space<vmem>> -> memref<96x64xf32, #tpu.memory_space<vmem>>
        %dma_start3A_296 = arith.constant 104 : i32
        %dma_start3A_297 = tpu.memref_slice %arg8[%add3A_279, %dma_start3A_296] : memref<128x200xi32, #tpu.memory_space<vmem>> -> memref<1x96xi32, #tpu.memory_space<vmem>>
        %dma_start3A_298 = tpu.memref_squeeze %dma_start3A_297 : memref<1x96xi32, #tpu.memory_space<vmem>> -> memref<96xi32, #tpu.memory_space<vmem>>
        %dma_start3A_299 = arith.constant 0 : i32
        %dma_start3A_300 = arith.constant 0 : i32
        %dma_start3A_301 = tpu.memref_slice %arg4[%dma_start3A_299, %dma_start3A_300] : memref<1000000x64xf32, #tpu.memory_space<hbm>> -> memref<1000000x64xf32, #tpu.memory_space<hbm>>
        tpu.enqueue_indirect_dma source(%dma_start3A_301 : memref<1000000x64xf32, #tpu.memory_space<hbm>>) target(%dma_start3A_295 : memref<96x64xf32, #tpu.memory_space<vmem>>) offsets(%dma_start3A_298 : memref<96xi32, #tpu.memory_space<vmem>>) semaphore(%arg15 : memref<!tpu.dma_semaphore, #tpu.memory_space<semaphore_mem>>)
      } else {
      }
    }
    %scan3A_54 = arith.constant 64 : i32
    "tpu.region"() ({
      %run_scoped3A = tpu.sem_alloc : memref<!tpu.dma_semaphore, #tpu.memory_space<semaphore_mem>>
      %dma_start3A_55 = arith.constant 0 : i32
      %dma_start3A_56 = tpu.memref_slice %arg5[%mul3A_2, %dma_start3A_55] : memref<4096x64xf32, #tpu.memory_space<hbm>> -> memref<128x64xf32, #tpu.memory_space<hbm>>
      %dma_start3A_57 = arith.constant 0 : i32
      %dma_start3A_58 = tpu.memref_slice %arg5[%mul3A_2, %dma_start3A_57] : memref<4096x64xf32, #tpu.memory_space<hbm>> -> memref<128x64xf32, #tpu.memory_space<hbm>>
      tpu.enqueue_dma source(%arg11 : memref<128x64xf32, #tpu.memory_space<vmem>>) target(%dma_start3A_58 : memref<128x64xf32, #tpu.memory_space<hbm>>) target_semaphore(%run_scoped3A : memref<!tpu.dma_semaphore, #tpu.memory_space<semaphore_mem>>)
      %dma_wait3A = arith.constant 0 : i32
      %dma_wait3A_59 = tpu.memref_slice %arg5[%mul3A_2, %dma_wait3A] : memref<4096x64xf32, #tpu.memory_space<hbm>> -> memref<128x64xf32, #tpu.memory_space<hbm>>
      %dma_wait3A_60 = arith.constant 0 : i32
      %dma_wait3A_61 = tpu.memref_slice %arg5[%mul3A_2, %dma_wait3A_60] : memref<4096x64xf32, #tpu.memory_space<hbm>> -> memref<128x64xf32, #tpu.memory_space<hbm>>
      tpu.wait_dma2 semaphore(%run_scoped3A : memref<!tpu.dma_semaphore, #tpu.memory_space<semaphore_mem>>) src(%arg11 : memref<128x64xf32, #tpu.memory_space<vmem>>) dst(%dma_wait3A_61 : memref<128x64xf32, #tpu.memory_space<hbm>>)
      tpu.yield
    }) : () -> ()
    "tpu.region"() ({
      %run_scoped3A = tpu.sem_alloc : memref<!tpu.dma_semaphore, #tpu.memory_space<semaphore_mem>>
      %dma_start3A_55 = arith.constant 0 : i32
      %dma_start3A_56 = tpu.memref_slice %arg6[%mul3A_2, %dma_start3A_55] : memref<4096x64xf32, #tpu.memory_space<hbm>> -> memref<128x64xf32, #tpu.memory_space<hbm>>
      %dma_start3A_57 = arith.constant 0 : i32
      %dma_start3A_58 = tpu.memref_slice %arg6[%mul3A_2, %dma_start3A_57] : memref<4096x64xf32, #tpu.memory_space<hbm>> -> memref<128x64xf32, #tpu.memory_space<hbm>>
      tpu.enqueue_dma source(%arg12 : memref<128x64xf32, #tpu.memory_space<vmem>>) target(%dma_start3A_58 : memref<128x64xf32, #tpu.memory_space<hbm>>) target_semaphore(%run_scoped3A : memref<!tpu.dma_semaphore, #tpu.memory_space<semaphore_mem>>)
      %dma_wait3A = arith.constant 0 : i32
      %dma_wait3A_59 = tpu.memref_slice %arg6[%mul3A_2, %dma_wait3A] : memref<4096x64xf32, #tpu.memory_space<hbm>> -> memref<128x64xf32, #tpu.memory_space<hbm>>
      %dma_wait3A_60 = arith.constant 0 : i32
      %dma_wait3A_61 = tpu.memref_slice %arg6[%mul3A_2, %dma_wait3A_60] : memref<4096x64xf32, #tpu.memory_space<hbm>> -> memref<128x64xf32, #tpu.memory_space<hbm>>
      tpu.wait_dma2 semaphore(%run_scoped3A : memref<!tpu.dma_semaphore, #tpu.memory_space<semaphore_mem>>) src(%arg12 : memref<128x64xf32, #tpu.memory_space<vmem>>) dst(%dma_wait3A_61 : memref<128x64xf32, #tpu.memory_space<hbm>>)
      tpu.yield
    }) : () -> ()
    "tpu.region"() ({
      %run_scoped3A = tpu.sem_alloc : memref<!tpu.dma_semaphore, #tpu.memory_space<semaphore_mem>>
      %dma_start3A_55 = arith.constant 0 : i32
      %dma_start3A_56 = tpu.memref_slice %arg7[%mul3A_2, %dma_start3A_55] : memref<4096x64xf32, #tpu.memory_space<hbm>> -> memref<128x64xf32, #tpu.memory_space<hbm>>
      %dma_start3A_57 = arith.constant 0 : i32
      %dma_start3A_58 = tpu.memref_slice %arg7[%mul3A_2, %dma_start3A_57] : memref<4096x64xf32, #tpu.memory_space<hbm>> -> memref<128x64xf32, #tpu.memory_space<hbm>>
      tpu.enqueue_dma source(%arg13 : memref<128x64xf32, #tpu.memory_space<vmem>>) target(%dma_start3A_58 : memref<128x64xf32, #tpu.memory_space<hbm>>) target_semaphore(%run_scoped3A : memref<!tpu.dma_semaphore, #tpu.memory_space<semaphore_mem>>)
      %dma_wait3A = arith.constant 0 : i32
      %dma_wait3A_59 = tpu.memref_slice %arg7[%mul3A_2, %dma_wait3A] : memref<4096x64xf32, #tpu.memory_space<hbm>> -> memref<128x64xf32, #tpu.memory_space<hbm>>
      %dma_wait3A_60 = arith.constant 0 : i32
      %dma_wait3A_61 = tpu.memref_slice %arg7[%mul3A_2, %dma_wait3A_60] : memref<4096x64xf32, #tpu.memory_space<hbm>> -> memref<128x64xf32, #tpu.memory_space<hbm>>
      tpu.wait_dma2 semaphore(%run_scoped3A : memref<!tpu.dma_semaphore, #tpu.memory_space<semaphore_mem>>) src(%arg13 : memref<128x64xf32, #tpu.memory_space<vmem>>) dst(%dma_wait3A_61 : memref<128x64xf32, #tpu.memory_space<hbm>>)
      tpu.yield
    }) : () -> ()
    return
  }
}

module attributes {stable_mosaic.version = 14 : i64} {
  func.func @body(%arg0: i32, %arg1: memref<512x64xf32, #tpu.memory_space<vmem>>, %arg2: memref<512x64xf32, #tpu.memory_space<vmem>>, %arg3: memref<512x64xf32, #tpu.memory_space<vmem>>, %arg4: memref<512x200xf32, #tpu.memory_space<vmem>>, %arg5: memref<64x64xf32, #tpu.memory_space<vmem>>, %arg6: memref<1x64xf32, #tpu.memory_space<vmem>>, %arg7: memref<128x1xf32, #tpu.memory_space<vmem>>, %arg8: memref<1x1xf32, #tpu.memory_space<vmem>>, %arg9: memref<512x1xf32, #tpu.memory_space<vmem>>) attributes {dimension_semantics = [#tpu.dimension_semantics<arbitrary>], iteration_bounds = array<i64: 8>, scalar_prefetch = 0 : i64, scratch_operands = 0 : i64, tpu.core_type = #tpu.core_type<tc>, window_params = [{transform_indices = @transform_0, window_bounds = array<i64: 512, 64>}, {transform_indices = @transform_1, window_bounds = array<i64: 512, 64>}, {transform_indices = @transform_2, window_bounds = array<i64: 512, 64>}, {transform_indices = @transform_3, window_bounds = array<i64: 512, 200>}, {pipeline_mode = #tpu.pipeline_mode<synchronous>, transform_indices = @transform_4, window_bounds = array<i64: 64, 64>}, {pipeline_mode = #tpu.pipeline_mode<synchronous>, transform_indices = @transform_5, window_bounds = array<i64: 1, 64>}, {pipeline_mode = #tpu.pipeline_mode<synchronous>, transform_indices = @transform_6, window_bounds = array<i64: 128, 1>}, {pipeline_mode = #tpu.pipeline_mode<synchronous>, transform_indices = @transform_7, window_bounds = array<i64: 1, 1>}, {transform_indices = @transform_8, window_bounds = array<i64: 512, 1>}]} {
    %get3A = arith.constant 0 : index
    %get3A_0 = arith.constant 0 : index
    %get3A_1 = vector.load %arg1[%get3A, %get3A_0] : memref<512x64xf32, #tpu.memory_space<vmem>>, vector<512x64xf32>
    %mul3A = arith.constant 5.000000e-03 : f32
    %mul3A_2 = vector.broadcast %mul3A : f32 to vector<512x64xf32>
    %mul3A_3 = arith.mulf %get3A_1, %mul3A_2 : vector<512x64xf32>
    %get3A_4 = arith.constant 0 : index
    %get3A_5 = arith.constant 0 : index
    %get3A_6 = vector.load %arg5[%get3A_4, %get3A_5] : memref<64x64xf32, #tpu.memory_space<vmem>>, vector<64x64xf32>
    %dot_general3A = arith.constant dense<0.000000e+00> : vector<512x64xf32>
    %dot_general3A_7 = tpu.matmul %mul3A_3, %get3A_6, %dot_general3A {dimension_numbers = #tpu.dot_dimension_numbers<[1], [0], [0], [1], [0, 0, 1, 1], [], []>, transpose_lhs_hint = false} : vector<512x64xf32>, vector<64x64xf32>, vector<512x64xf32> -> vector<512x64xf32>
    %get3A_8 = arith.constant 0 : index
    %get3A_9 = arith.constant 0 : index
    %get3A_10 = vector.load %arg6[%get3A_8, %get3A_9] : memref<1x64xf32, #tpu.memory_space<vmem>>, vector<1x64xf32>
    %add3A = vector.broadcast %get3A_10 : vector<1x64xf32> to vector<512x64xf32>
    %add3A_11 = arith.addf %dot_general3A_7, %add3A : vector<512x64xf32>
    %tanh3A = math.tanh %add3A_11 : vector<512x64xf32>
    %get3A_12 = arith.constant 0 : index
    %get3A_13 = arith.constant 0 : index
    %get3A_14 = vector.load %arg4[%get3A_12, %get3A_13] : memref<512x200xf32, #tpu.memory_space<vmem>>, vector<512x200xf32>
    %reduce_sum3A = arith.constant dense<0.000000e+00> : vector<512xf32>
    %reduce_sum3A_15 = vector.multi_reduction <add>, %get3A_14, %reduce_sum3A [1] : vector<512x200xf32> to vector<512xf32>
    %broadcast_in_dim3A = vector.shape_cast %reduce_sum3A_15 : vector<512xf32> to vector<512x1xf32>
    %slice3A = vector.extract_strided_slice %get3A_14 {offsets = [0, 0], sizes = [512, 1], strides = [1, 1]} : vector<512x200xf32> to vector<512x1xf32>
    %sub3A = arith.subf %broadcast_in_dim3A, %slice3A : vector<512x1xf32>
    %get3A_16 = arith.constant 0 : index
    %get3A_17 = arith.constant 0 : index
    %get3A_18 = vector.load %arg3[%get3A_16, %get3A_17] : memref<512x64xf32, #tpu.memory_space<vmem>>, vector<512x64xf32>
    %add3A_19 = arith.addf %get3A_18, %tanh3A : vector<512x64xf32>
    %get3A_20 = arith.constant 0 : index
    %get3A_21 = arith.constant 0 : index
    %get3A_22 = vector.load %arg2[%get3A_20, %get3A_21] : memref<512x64xf32, #tpu.memory_space<vmem>>, vector<512x64xf32>
    %mul3A_23 = vector.broadcast %sub3A : vector<512x1xf32> to vector<512x64xf32>
    %mul3A_24 = arith.mulf %mul3A_23, %tanh3A : vector<512x64xf32>
    %add3A_25 = arith.addf %get3A_22, %mul3A_24 : vector<512x64xf32>
    %add3A_26 = arith.constant 9.99999993E-9 : f32
    %add3A_27 = vector.broadcast %add3A_26 : f32 to vector<512x1xf32>
    %add3A_28 = arith.addf %sub3A, %add3A_27 : vector<512x1xf32>
    %div3A = vector.broadcast %add3A_28 : vector<512x1xf32> to vector<512x64xf32>
    %div3A_29 = arith.divf %add3A_25, %div3A : vector<512x64xf32>
    %get3A_30 = arith.constant 0 : index
    %get3A_31 = arith.constant 0 : index
    %get3A_32 = vector.load %arg7[%get3A_30, %get3A_31] : memref<128x1xf32, #tpu.memory_space<vmem>>, vector<128x1xf32>
    %slice3A_33 = vector.extract_strided_slice %get3A_32 {offsets = [0, 0], sizes = [64, 1], strides = [1, 1]} : vector<128x1xf32> to vector<64x1xf32>
    %dot_general3A_34 = arith.constant dense<0.000000e+00> : vector<512x1xf32>
    %dot_general3A_35 = tpu.matmul %add3A_19, %slice3A_33, %dot_general3A_34 {dimension_numbers = #tpu.dot_dimension_numbers<[1], [0], [0], [1], [0, 0, 1, 1], [], []>, transpose_lhs_hint = false} : vector<512x64xf32>, vector<64x1xf32>, vector<512x1xf32> -> vector<512x1xf32>
    %slice3A_36 = vector.extract_strided_slice %get3A_32 {offsets = [64, 0], sizes = [64, 1], strides = [1, 1]} : vector<128x1xf32> to vector<64x1xf32>
    %dot_general3A_37 = arith.constant dense<0.000000e+00> : vector<512x1xf32>
    %dot_general3A_38 = tpu.matmul %div3A_29, %slice3A_36, %dot_general3A_37 {dimension_numbers = #tpu.dot_dimension_numbers<[1], [0], [0], [1], [0, 0, 1, 1], [], []>, transpose_lhs_hint = false} : vector<512x64xf32>, vector<64x1xf32>, vector<512x1xf32> -> vector<512x1xf32>
    %add3A_39 = arith.addf %dot_general3A_35, %dot_general3A_38 : vector<512x1xf32>
    %get3A_40 = arith.constant 0 : index
    %get3A_41 = arith.constant 0 : index
    %get3A_42 = vector.load %arg8[%get3A_40, %get3A_41] : memref<1x1xf32, #tpu.memory_space<vmem>>, vector<1x1xf32>
    %get3A_43 = vector.extract %get3A_42[0, 0] : f32 from vector<1x1xf32>
    %add3A_44 = vector.broadcast %get3A_43 : f32 to vector<512x1xf32>
    %add3A_45 = arith.addf %add3A_39, %add3A_44 : vector<512x1xf32>
    %swap3A = arith.constant 0 : index
    %swap3A_46 = arith.constant 0 : index
    %swap3A_47 = vector.load %arg9[%swap3A, %swap3A_46] : memref<512x1xf32, #tpu.memory_space<vmem>>, vector<512x1xf32>
    tpu.vector_store %arg9[%swap3A, %swap3A_46], %add3A_45 {strides = array<i32>} : memref<512x1xf32, #tpu.memory_space<vmem>>, vector<512x1xf32>,
    return
  }
  func.func @transform_0(%arg0: i32) -> (i32, i32) {
    %c0_i32 = arith.constant 0 : i32
    %c0_i32_0 = arith.constant 0 : i32
    return %arg0, %c0_i32 : i32, i32
  }
  func.func @transform_1(%arg0: i32) -> (i32, i32) {
    %c0_i32 = arith.constant 0 : i32
    %c0_i32_0 = arith.constant 0 : i32
    return %arg0, %c0_i32 : i32, i32
  }
  func.func @transform_2(%arg0: i32) -> (i32, i32) {
    %c0_i32 = arith.constant 0 : i32
    %c0_i32_0 = arith.constant 0 : i32
    return %arg0, %c0_i32 : i32, i32
  }
  func.func @transform_3(%arg0: i32) -> (i32, i32) {
    %c0_i32 = arith.constant 0 : i32
    %c0_i32_0 = arith.constant 0 : i32
    return %arg0, %c0_i32 : i32, i32
  }
  func.func @transform_4(%arg0: i32) -> (i32, i32) {
    %c0_i32 = arith.constant 0 : i32
    %c0_i32_0 = arith.constant 0 : i32
    %c0_i32_1 = arith.constant 0 : i32
    return %c0_i32, %c0_i32_0 : i32, i32
  }
  func.func @transform_5(%arg0: i32) -> (i32, i32) {
    %c0_i32 = arith.constant 0 : i32
    %c0_i32_0 = arith.constant 0 : i32
    %c0_i32_1 = arith.constant 0 : i32
    return %c0_i32, %c0_i32_0 : i32, i32
  }
  func.func @transform_6(%arg0: i32) -> (i32, i32) {
    %c0_i32 = arith.constant 0 : i32
    %c0_i32_0 = arith.constant 0 : i32
    %c0_i32_1 = arith.constant 0 : i32
    return %c0_i32, %c0_i32_0 : i32, i32
  }
  func.func @transform_7(%arg0: i32) -> (i32, i32) {
    %c0_i32 = arith.constant 0 : i32
    %c0_i32_0 = arith.constant 0 : i32
    %c0_i32_1 = arith.constant 0 : i32
    return %c0_i32, %c0_i32_0 : i32, i32
  }
  func.func @transform_8(%arg0: i32) -> (i32, i32) {
    %c0_i32 = arith.constant 0 : i32
    %c0_i32_0 = arith.constant 0 : i32
    return %arg0, %c0_i32 : i32, i32
  }
}

</mosaic_0001>

<sc_bundles>
// kernel: kernel.4.cloned.1.call-start
scs
__scs_entry_jumppad:
0x0: {  	(pc) =	sbr.rel $0x88, $3  }
0x1: {  	(tag) =	ssettag $0x0;
	lr =	simm.s32 $0x1  }
0x2: {  	[smem:$0x3F9A] =	sst lr;
	_ =	strace $0xD0000000  }
0x3: {  	_ = 	snop  }
0x4: {  	_ = 	snop  }
0x5: {  	_ = 	snop  }
0x6: {  	_ = 	snop  }
0x7: {  	_ = 	snop  }
__scs_overlays_trampoline_lowered:
0x8: {  	[smem:$0x3FA9] =	sst s0  }
0x9: {  	[smem:$0x3FAA] =	sst s1  }
0xa: {  	[smem:$0x3FAB] =	sst s2  }
0xb: {  	[smem:$0x3FAC] =	sst s3  }
0xc: {  	[smem:$0x3FAD] =	sst s4  }
0xd: {  	[smem:$0x3FAE] =	sst s5  }
0xe: {  	[smem:$0x3FAF] =	sst s6  }
0xf: {  	[smem:$0x3FB0] =	sst s7  }
0x10: {  	[smem:$0x3FB1] =	sst s8  }
0x11: {  	[smem:$0x3FB2] =	sst s9;
	s0 =	simm.s32 @!p0 $0x0  }
0x12: {  	s1 =	sld [smem:$0x3F98];
	s0 =	simm.s32 @p0 $0x1  }
0x13: {  	[smem:$0x3FB3] =	sst s0;
	s0 =	simm.s32 @!p1 $0x0  }
0x14: {  	s2 =	sld [smem:$0x3F97];
	s0 =	simm.s32 @p1 $0x1  }
0x15: {  	[smem:$0x3FB4] =	sst s0;
	s0 =	simm.s32 @!p2 $0x0  }
0x16: {  	s3 =	sld [smem:$0x3FDB];
	s0 =	simm.s32 @p2 $0x1  }
0x17: {  	s4 =	simm.s32 $0x1BF5;
	[smem:$0x3FB6] =	sst s0  }
0x18: {  	s0 =	sld [smem:$0x3F99];
	_ =	swait.ge [sflag:s4], $0x0  }
0x19: {  	s7 =	sld [smem:$0x3F9A]  }
0x1a: {  	s8 =	sadd.s32 $0xFFFFE003, lr  }
0x1b: {  	s9 =	sadd.s32 $0xFFFFFEF7, lr;
	s5 =	simm.s32 $0xFFFFFFFF;
	p2 =	slt.u32 s8, $0xFFFFF086  }
0x1c: {  	p1 =	slt.u32 s9, $0xF7A;
	s5 =	simm.s32 @!p2 $0x0  }
0x1d: {  	s5 =	simm.s32 @p1 $0x1;
	p0 =	seq.s32 s7, s2  }
0x1e: {  	s7 =	smul.u32 @!p0 $0xF7A, s2;
	p2 =	seq.s32 @!p0 s5, $0x0  }
0x1f: {  	s9 =	smul.u32 $0xF7A, s1;
	s8 =	simm.s32 @!p0 $0x1BF5;
	p2 =	por !p2, p0  }
0x20: {  	[sflag:s8] =	ssyncset.s32 @!p0 $0xFFFFF086;
	s6 =	sadd.s32 @!p0 s3, s7;
	s7 =	simm.s32 @!p0 $0x108  }
0x21: {  	s3 =	sadd.s32 s3, s9;
	s6 =	sadd.s32 @!p0 $0x88, s6;
	s7 =	simm.s32 @p2 $0x1082  }
0x22: {  	[simem:s7], [sflag:s8] =	dma.local @!p0 [hbm:s6], $0xF7A  }
0x23: {  	s9 =	sor.u32 $0xD0000000, s2;
	s6 =	simm.s32 $0x108;
	_ =	swait.ge @!p0 [sflag:s8], $0x0  }
0x24: {  	s3 =	sadd.s32 $0x88, s3;
	s6 =	simm.s32 @!p1 $0x1082;
	[sflag:s4] =	ssyncset.s32 $0xFFFFF086  }
0x25: {  	[simem:s6], [sflag:s4] =	dma.local [hbm:s3], $0xF7A  }
0x26: {  	[smem:$0x3F9A] =	sst s1;
	(tag) =	ssettag s2;
	_ =	strace s9  }
0x27: {  	s1 =	sld [smem:$0x3FAA]  }
0x28: {  	s2 =	sld [smem:$0x3FAB]  }
0x29: {  	s4 =	sld [smem:$0x3FAD]  }
0x2a: {  	p0 =	seq.s32 s5, $0x0;
	s5 =	sld [smem:$0x3FAE]  }
0x2b: {  	s6 =	sld [smem:$0x3FAF]  }
0x2c: {  	s7 =	sld [smem:$0x3FB0]  }
0x2d: {  	s3 =	simm.s32 $0x108;
	s8 =	sld [smem:$0x3FB1]  }
0x2e: {  	s3 =	simm.s32 @!p0 $0x1082;
	s9 =	sld [smem:$0x3FB2]  }
0x2f: {  	lr =	sadd.s32 s0, s3;
	s0 =	sld [smem:$0x3FA9]  }
0x30: {  	s3 =	sld [smem:$0x3FAC]  }
0x31: {  	[smem:$0x3FB5] =	sst s10  }
0x32: {  	s10 =	sld [smem:$0x3FB3];
	_ =	sdelay $0x3  }
0x33: {  	p0 =	seq.s32 s10, $0x1;
	s10 =	sld [smem:$0x3FB5];
	_ =	sdelay $0x3  }
0x34: {  	[smem:$0x3FB5] =	sst s10  }
0x35: {  	s10 =	sld [smem:$0x3FB4];
	_ =	sdelay $0x3  }
0x36: {  	p1 =	seq.s32 s10, $0x1;
	s10 =	sld [smem:$0x3FB5];
	_ =	sdelay $0x3  }
0x37: {  	[smem:$0x3FB5] =	sst s10  }
0x38: {  	s10 =	sld [smem:$0x3FB6]  }
0x39: {  	_ = 	snop;
	(pc) =	sbr.ind lr, $3  }
0x3a: {  	_ = 	snop  }
0x3b: {  	_ = 	snop  }
0x3c: {  	p2 =	seq.s32 s10, $0x1;
	s10 =	sld [smem:$0x3FB5]  }
0x3d: {  	_ =	shalt  }
0x3e: {  	_ =	shalt  }
0x3f: {  	_ =	shalt  }
0x40: {  	_ =	shalt  }
0x41: {  	_ =	shalt  }
0x42: {  	_ =	shalt  }
0x43: {  	_ =	shalt  }
0x44: {  	_ =	shalt  }
0x45: {  	_ =	shalt  }
0x46: {  	_ =	shalt  }
0x47: {  	_ =	shalt  }
0x48: {  	_ =	shalt  }
0x49: {  	_ =	shalt  }
0x4a: {  	_ =	shalt  }
0x4b: {  	_ =	shalt  }
0x4c: {  	_ =	shalt  }
0x4d: {  	_ =	shalt  }
0x4e: {  	_ =	shalt  }
0x4f: {  	_ =	shalt  }
0x50: {  	_ =	shalt  }
0x51: {  	_ =	shalt  }
0x52: {  	_ =	shalt  }
0x53: {  	_ =	shalt  }
0x54: {  	_ =	shalt  }
0x55: {  	_ =	shalt  }
0x56: {  	_ =	shalt  }
0x57: {  	_ =	shalt  }
0x58: {  	_ =	shalt  }
0x59: {  	_ =	shalt  }
0x5a: {  	_ =	shalt  }
0x5b: {  	_ =	shalt  }
0x5c: {  	_ =	shalt  }
0x5d: {  	_ =	shalt  }
0x5e: {  	_ =	shalt  }
0x5f: {  	_ =	shalt  }
0x60: {  	_ =	shalt  }
0x61: {  	_ =	shalt  }
0x62: {  	_ =	shalt  }
0x63: {  	_ =	shalt  }
0x64: {  	_ =	shalt  }
0x65: {  	_ =	shalt  }
0x66: {  	_ =	shalt  }
0x67: {  	_ =	shalt  }
0x68: {  	_ =	shalt  }
0x69: {  	_ =	shalt  }
0x6a: {  	_ =	shalt  }
0x6b: {  	_ =	shalt  }
0x6c: {  	_ =	shalt  }
0x6d: {  	_ =	shalt  }
0x6e: {  	_ =	shalt  }
0x6f: {  	_ =	shalt  }
0x70: {  	_ =	shalt  }
0x71: {  	_ =	shalt  }
0x72: {  	_ =	shalt  }
0x73: {  	_ =	shalt  }
0x74: {  	_ =	shalt  }
0x75: {  	_ =	shalt  }
0x76: {  	_ =	shalt  }
0x77: {  	_ =	shalt  }
0x78: {  	_ =	shalt  }
0x79: {  	_ =	shalt  }
0x7a: {  	_ =	shalt  }
0x7b: {  	_ =	shalt  }
0x7c: {  	_ =	shalt  }
0x7d: {  	_ =	shalt  }
0x7e: {  	_ =	shalt  }
0x7f: {  	_ =	shalt  }
0x80: {  	_ =	shalt  }
0x81: {  	_ =	shalt  }
0x82: {  	_ =	shalt  }
0x83: {  	_ =	shalt  }
0x84: {  	_ =	shalt  }
0x85: {  	_ =	shalt  }
0x86: {  	_ =	shalt  }
0x87: {  	_ =	shalt  }
.Lfunc_end0:
.L_simem_size_0:
called_computation_lowered:
.L_overlay_start_0:
0x88: {  	s2 =	sld [smem:$0x3FD9]  }
0x89: {  	s3 =	sld [smem:$0x3FFE];
	_ =	sdelay $0x1  }
0x8a: {  	s1 =	srdreg.scid  }
0x8b: {  	s0 =	sand.u32 $0x1, s1  }
0x8c: {  	s16 =	sshll.u32 s0, $0xA;
	s2 =	sadd.s32 s3, s2  }
0x8d: {  	s2 =	sadd.s32 s2, s16  }
0x8e: {  	[smem:$0x3FC1] =	sst s2  }
0x8f: {  	_ = 	snop  }
0x90: {  	(tm) =	ssettm $0x1  }
0x91: {  	s17 =	sld [smem:$0x3FFB];
	_ =	sdelay $0x3  }
0x92: {  	_ =	strace s17  }
0x93: {  	s2 =	sld [smem:$0x3FFC];
	_ =	sdelay $0x3  }
0x94: {  	_ =	strace s2  }
0x95: {  	s2 =	sld [smem:$0x3FFD];
	_ =	sdelay $0x3  }
0x96: {  	_ =	strace s2  }
0x97: {  	_ =	strace $0x8FFFFFFF  }
0x98: {  	s18 =	sld [smem:$0x3FDB];
	_ =	sdelay $0x1  }
0x99: {  	s19 =	simm.s32 $_scs_section_size  }
0x9a: {  	s4 =	simm.s32 $_size__tile_overlayer_lowered;
	s5 =	simm.s32 $_tile_overlayer_lowered  }
0x9b: {  	s22 =	simm.s32 $0x1BFF;
	s21 =	sshll.u32 s5, $0x1;
	s2 =	sadd.s32 s19, s18  }
0x9c: {  	s6 =	simm.s32 $0x0;
	s20 =	sshll.u32 s4, $0x1;
	s4 =	sadd.s32 s21, s2  }
0x9d: {  	[timem:s6], [sflag:s22] =	dma.local [hbm:s4], s20  }
0x9e: {  	_ =	swait.ge [sflag:s22], s20  }
0x9f: {  	s3 =	ssub.s32 $0x0, s20;
	[sflag:s22] =	ssyncset.done $0x0  }
0xa0: {  	[sflag:s22] =	ssyncadd.s32 s3;
	_ =	sdelay $0x1  }
0xa1: {  	s23 =	simm.s32 $0x1B8B  }
0xa2: {  	_ =	swait.ge [sflag:s23], $0x1  }
0xa3: {  	[sflag:s23] =	ssyncset.done $0x0  }
0xa4: {  	s25 =	simm.s32 $0x1B8E;
	s24 =	sld [smem:$0x3FFE];
	[sflag:s23] =	ssyncadd.s32 $0xFFFFFFFF  }
0xa5: {  	s26 =	simm.s32 $execute0_lowered;
	[smem:$0x3FD2] =	sst s25  }
0xa6: {  	s4 =	sshll.u32 s26, $0x1;
	_ =	strace $0x80000046;
	[dreg:$0x1] =	wrdreg $0xFFFFFFFF  }
0xa7: {  	s28 =	simm.s32 $_size_execute0_lowered;
	s2 =	sadd.s32 s2, s4;
	[dreg:$0x0] =	wrdreg $0x0  }
0xa8: {  	s4 =	sshll.u32 s28, $0x1;
	[dreg:$0x2] =	wrdreg s2  }
0xa9: {  	[dreg:$0x3] =	wrdreg s4  }
0xaa: {  	[dreg:$0x4] =	wrdreg $0xC0  }
0xab: {  	_ =	task [dreg:s6], $0x5FFFF  }
0xac: {  	[dreg:$0x1] =	wrdreg $0xFFFFFFFF  }
0xad: {  	[dreg:$0x0] =	wrdreg $0x60  }
0xae: {  	[dreg:$0x2] =	wrdreg s24  }
0xaf: {  	[dreg:$0x3] =	wrdreg $0x9  }
0xb0: {  	_ =	task.clear_ibuf [dreg:s6], $0x4FFFF;
	_ =	strace $0x90000046  }
0xb1: {  	s29 =	simm.s32 $0x9;
	_ =	strace $0x80000048  }
0xb2: {  	_ =	swait.ge [sflag:s29], $0x1  }
0xb3: {  	[sflag:s29] =	ssyncadd.s32 $0xFFFFFFFF  }
0xb4: {  	_ =	strace $0x90000048  }
0xb5: {  	_ =	sfence  }
0xb6: {  	s30 =	sld [smem:$0x0];
	_ =	sdelay $0x2  }
0xb7: {  	s31 =	sshll.u32 s1, $0xD;
	s1 =	sshrl.u32 s1, $0x2  }
0xb8: {  	s3 =	sand.u32 $0x4000, s31;
	s1 =	sadd.s32 s1, s30  }
0xb9: {  	s0 =	sor.u32 s3, s0;
	s1 =	sshll.u32 s1, $0x11  }
0xba: {  	s0 =	sor.u32 s1, s0  }
0xbb: {  	s0 =	sadd.s32 $0x8F2B, s0  }
0xbc: {  	[sflag:s0] =	ssyncadd.remote.s32 $0x1  }
0xbd: {  	_ =	sfence.sel $0xFFFF  }
0xbe: {  	[dreg:$0x0] =	wrdreg $0xFFFFFFFF;
	(pc) =	sbr.abs _section_cstart, $3  }
0xbf: {  	[dreg:$0x1] =	wrdreg $0xFFFFFFFF  }
0xc0: {  	_ =	task.clear_ibuf [dreg:s6], $0x2FFFF;
	_ =	strace $0x9FFFFFFF  }
0xc1: {  	(tm) =	ssettm $0x7FFFFFFF  }
tec
execute0_lowered:
.L_overlay_start_1:
0x0: {  	(tag) =	ssettag $0x1  }
0x1: {  	s1 =	srdreg.scid;
	s0 =	stileid.u32  }
0x2: {  	s4 =	rddreg [dreg:$0x0];
	s2 =	simm.s32 $0x0;
	s11 =	simm.s32 $0x6400  }
0x3: {  	s12 =	simm.s32 $0x68;
	s13 =	simm.s32 $0xC800;
	s14 =	simm.s32 $0x60  }
0x4: {  	s15 =	simm.s32 $0xE200;
	s16 =	simm.s32 $0xC8;
	s17 =	simm.s32 $0xFA00  }
0x5: {  	s18 =	simm.s32 $0x130;
	s19 =	simm.s32 $0x11400;
	s20 =	simm.s32 $0x2  }
0x6: {  	s21 =	simm.s32 $0x12C00;
	s22 =	simm.s32 $0x14C00;
	s3 =	sand.u32 $0x1, s1  }
0x7: {  	s23 =	simm.s32 $0x16C00;
	s5 =	sshll.u32 s0, $0x8;
	s6 =	sshll.u32 s3, $0x7  }
0x8: {  	s24 =	simm.s32 $0x0;
	[smem:$0x7FF] =	sst s2;
	s5 =	sor.u32 s6, s5  }
0x9: {  	s1 =	rddreg [dreg:$0x1];
	_ =	strace $0x80000047;
	s6 =	smul.u32 $0x19, s5  }
.Ltmp0:
0xa: {  	s7 =	ssub.s32 $0x2, s3;
	s5 =	sshll.u32 s5, $0x3;
	(pc) =	sbr.rel .LBB2_1-.Ltmp0, $4  }
0xb: {  	s3 =	sadd.s32 $0xF7C800, s4;
	s8 =	sshrl.u32 s7, $0x1;
	s9 =	sadd.s32 s5, s4  }
0xc: {  	s10 =	ssub.s32 s7, s8;
	s6 =	sadd.s32 s6, s4;
	s7 =	sadd.s32 $0x5B400, s9  }
0xd: {  	s8 =	sadd.s32 $0x53400, s9;
	s4 =	sadd.s32 $0x3A400, s6;
	s5 =	sadd.s32 $0x21400, s6  }
0xe: {  	s6 =	sadd.s32 $0x63400, s9;
	s9 =	smax.u32 s10, $0x1;
	s10 =	simm.s32 $0x3  }
.LBB2_8:
0xf: {  	[hbm4b:s6+s2] =	stream.linear.scatter [tilespmem:s21], [sflag:$0x3], $0x2000, $0x38;
	[tilespmem:$0x18C00] =	vst v63  }
0x10: {  	_ =	swait.ge [sflag:s10], $0x2000  }
0x11: {  	[sflag:s10] =	ssyncset.done $0x0  }
0x12: {  	[sflag:s10] =	ssyncadd.s32 $0xFFFFE000  }
0x13: {  	[hbm4b:s7+s2] =	stream.linear.scatter [tilespmem:s22], [sflag:$0x3], $0x2000, $0x38;
	[tilespmem:$0x18C00] =	vst v63  }
0x14: {  	s24 =	sadd.s32 $0x1, s24;
	_ =	swait.ge [sflag:s10], $0x2000  }
0x15: {  	p0 =	sne.s32 s24, s9;
	[sflag:s10] =	ssyncset.done $0x0  }
.Ltmp1:
0x16: {  	[sflag:s10] =	ssyncadd.s32 $0xFFFFE000;
	(pc) =	sbr.rel @!p0 .LBB2_9-.Ltmp1, $4  }
0x17: {  	[hbm4b:s8+s2] =	stream.linear.scatter [tilespmem:s23], [sflag:$0x3], $0x2000, $0x38;
	[tilespmem:$0x18C00] =	vst v63  }
0x18: {  	_ =	swait.ge [sflag:s10], $0x2000  }
0x19: {  	[sflag:s10] =	ssyncset.done $0x0  }
0x1a: {  	[sflag:s10] =	ssyncadd.s32 $0xFFFFE000  }
.LBB2_1:
0x1b: {  	[tilespmem:s2], [sflag:$0x3] =	stream.linear.gather [hbm4b:s4+s2], $0x6400, $0x38;
	[tilespmem:$0x18C00] =	vst v63  }
0x1c: {  	_ =	swait.ge [sflag:s10], $0x6400  }
0x1d: {  	[sflag:s10] =	ssyncset.done $0x0  }
0x1e: {  	[sflag:s10] =	ssyncadd.s32 $0xFFFF9C00  }
0x1f: {  	[tilespmem:s11], [sflag:$0x3] =	stream.linear.gather [hbm4b:s5+s2], $0x6400, $0x38;
	[tilespmem:$0x18C00] =	vst v63  }
0x20: {  	_ =	swait.ge [sflag:s10], $0x6400  }
0x21: {  	[sflag:s10] =	ssyncset.done $0x0  }
0x22: {  	[sflag:s10] =	ssyncadd.s32 $0xFFFF9C00  }
0x23: {  	[tilespmem:s13], [sflag:$0x1] =	stream.indirect.gather [hbm4b:s3+s12], $0x40, s2, s12, $0xb8;
	[tilespmem:$0x18C00] =	vst v63  }
0x24: {  	_ = 	snop  }
0x25: {  	[tilespmem:s15], [sflag:$0x1] =	stream.indirect.gather [hbm4b:s3+s14], $0x40, s12, s14, $0xb8;
	[tilespmem:$0x18C00] =	vst v63  }
0x26: {  	_ = 	snop  }
0x27: {  	[tilespmem:s17], [sflag:$0x2] =	stream.indirect.gather [hbm4b:s3+s12], $0x40, s16, s12, $0xb8;
	[tilespmem:$0x18C00] =	vst v63  }
0x28: {  	s25 =	simm.s32 $0x0  }
0x29: {  	[tilespmem:s19], [sflag:$0x2] =	stream.indirect.gather [hbm4b:s3+s14], $0x40, s18, s14, $0xb8;
	[tilespmem:$0x18C00] =	vst v63  }
.LBB2_2:
0x2a: {  	s26 =	sshll.u32 s25, $0x1;
	s28 =	simm.s32 $0x1  }
0x2b: {  	v0 =	vmov s26;
	_ =	swait.ge [sflag:s28], $0x1A00  }
0x2c: {  	v0 =	vmul.u32 $0xC8, v0;
	[sflag:s28] =	ssyncset.done $0x0  }
0x2d: {  	[sflag:s28] =	ssyncadd.s32 $0xFFFFE600  }
0x2e: {  	v4 =	vbroadcast v0, $0x0;
	v0 =	vmov s28;
	_ =	swait.ge [sflag:s28], $0x1800  }
0x2f: {  	v1 =	vand.u32 $0xF8, v0;
	[sflag:s28] =	ssyncset.done $0x0  }
0x30: {  	v0 =	vand.u32 $0x7, v0;
	v1 =	vadd.s32 v4, v1;
	[sflag:s28] =	ssyncadd.s32 $0xFFFFE800  }
0x31: {  	v2 =	vor.u32 v0, v1;
	v3 =	vld [tilespmem:$0xC800]  }
0x32: {  	s28 =	simm.s32 $0x2;
	v1 =	vld [tilespmem:$0xC810]  }
0x33: {  	v0 =	vld [tilespmem:$0xC820];
	v5 =	vmov s28;
	s28 =	simm.s32 $0xC870  }
0x34: {  	v8 =	vld [tilespmem:s28+$0x0]  }
0x35: {  	v6 =	vand.u32 $0xF8, v5;
	v7 =	vld [tilespmem:s28+$0xFFFFFFD0]  }
0x36: {  	v10 =	vld.idx.msk [tilespmem:v2+s11+$0x0], $0xffff;
	v2 =	vand.u32 $0x7, v5;
	v5 =	vadd.s32 v4, v6  }
0x37: {  	s29 =	simm.s32 $0x3;
	v11 =	vld [tilespmem:s28+$0xFFFFFFE0];
	v5 =	vor.u32 v2, v5  }
0x38: {  	v13 =	vld [tilespmem:s28+$0xFFFFFFF0];
	v6 =	vmov s29  }
0x39: {  	v2 =	vld [tilespmem:$0xC830];
	v12 =	vand.u32 $0xF8, v6  }
0x3a: {  	s28 =	simm.s32 $0xC8B0;
	v6 =	vand.u32 $0x7, v6;
	v12 =	vadd.s32 v4, v12  }
0x3b: {  	v9 =	vimm.f32 $0.0e+00;
	v14 =	vadd.f32 v7, v3;
	v17 =	vor.u32 v6, v12;
	v6 =	vld [tilespmem:s28+$0x0]  }
0x3c: {  	v12 =	vadd.f32 v11, v1;
	v15 =	vmul.f32 v8, v10;
	v16 =	vmul.f32 v7, v10;
	v5 =	vld.idx.msk [tilespmem:v5+s11+$0x0], $0xffff  }
0x3d: {  	v18 =	vld [tilespmem:s28+$0xFFFFFFD0];
	v20 =	vmul.f32 v11, v10;
	v11 =	vadd.f32 v13, v0;
	v19 =	vmul.f32 v13, v10  }
0x3e: {  	s29 =	simm.s32 $0x4;
	v13 =	vimm.f32 $0.0e+00;
	v10 =	vmovc v2;
	v7 =	vadd.f32 v15, v9;
	v16 =	vadd.f32 v16, v9;
	v15 =	vld [tilespmem:s28+$0xFFFFFFE0]  }
.LBB2_3:
0x3f: {  	v21 =	vmov s29;
	p0 =	sne.s32 s29, $0xC7;
	s29 =	sadd.s32 $0x1, s29;
	v22 =	vld [tilespmem:s28+$0xFFFFFFF0];
	v9 =	vadd.f32 v20, v9;
	v10 =	vadd.f32 v8, v10  }
.Ltmp2:
0x40: {  	v24 =	vand.u32 $0xF8, v21;
	v13 =	vadd.f32 v19, v13;
	(pc) =	sbr.rel @p0 .LBB2_3-.Ltmp2, $4  }
0x41: {  	s28 =	sadd.s32 $0x40, s28;
	v19 =	vand.u32 $0x7, v21;
	v23 =	vmovc v5;
	v20 =	vadd.s32 v4, v24;
	v21 =	vmul.f32 v6, v5;
	v5 =	vld.idx.msk [tilespmem:v17+s11+$0x0], $0xffff  }
0x42: {  	v8 =	vmovc v6;
	v17 =	vor.u32 v19, v20;
	v14 =	vadd.f32 v18, v14;
	v19 =	vmul.f32 v18, v23;
	v6 =	vld [tilespmem:s28+$0x0]  }
0x43: {  	v18 =	vld [tilespmem:s28+$0xFFFFFFD0];
	v12 =	vadd.f32 v15, v12;
	v20 =	vmul.f32 v15, v23;
	v7 =	vadd.f32 v21, v7  }
0x44: {  	v15 =	vld [tilespmem:s28+$0xFFFFFFE0];
	v16 =	vadd.f32 v19, v16;
	v11 =	vadd.f32 v22, v11;
	v19 =	vmul.f32 v22, v23  }
0x45: {  	_ =	sdelay $0x3  }
0x46: {  	v4 =	vld.idx.msk [tilespmem:v17+s11+$0x0], $0xffff;
	s29 =	sadd.s32 $0x40, s28  }
0x47: {  	v17 =	vld [tilespmem:s29+$0xFFFFFFD0];
	_ =	sdelay $0x1  }
0x48: {  	v22 =	vld [tilespmem:s29+$0xFFFFFFE0]  }
0x49: {  	v21 =	vmul.f32 v18, v5;
	v14 =	vadd.f32 v18, v14  }
0x4a: {  	v12 =	vadd.f32 v15, v12  }
0x4b: {  	v18 =	vld [tilespmem:s28+$0xFFFFFFF0];
	v16 =	vadd.f32 v21, v16;
	v21 =	vmul.f32 v17, v4;
	v14 =	vadd.f32 v17, v14  }
0x4c: {  	v9 =	vadd.f32 v20, v9;
	s28 =	sshll.u32 s25, $0x7;
	v17 =	vld [tilespmem:s29+$0xFFFFFFF0]  }
0x4d: {  	v20 =	vmul.f32 v15, v5;
	v12 =	vadd.f32 v22, v12;
	v15 =	vadd.f32 v21, v16;
	v16 =	vld [tilespmem:s29+$0x0];
	[tilespmem:s28+$0x12C00] =	vst v14  }
0x4e: {  	[tilespmem:s28+$0x16C00] =	vst v3  }
0x4f: {  	v13 =	vadd.f32 v19, v13;
	[tilespmem:s28+$0x12C10] =	vst v12  }
0x50: {  	v9 =	vadd.f32 v20, v9;
	v14 =	vmul.f32 v22, v4;
	v19 =	vmul.f32 v18, v5;
	[tilespmem:s28+$0x16C10] =	vst v1  }
0x51: {  	v11 =	vadd.f32 v18, v11;
	v3 =	vadd.f32 v8, v10;
	v5 =	vmul.f32 v6, v5;
	[tilespmem:s28+$0x16C20] =	vst v0  }
0x52: {  	[tilespmem:s28+$0x16C30] =	vst v2;
	v9 =	vadd.f32 v14, v9;
	v8 =	vadd.f32 v19, v13;
	v10 =	vmul.f32 v17, v4  }
0x53: {  	[tilespmem:s28+$0x14C00] =	vst v15;
	v3 =	vadd.f32 v6, v3;
	v11 =	vadd.f32 v17, v11  }
0x54: {  	p0 =	seq.s32 s25, $0x3F;
	v1 =	vadd.f32 v5, v7;
	[tilespmem:s28+$0x14C10] =	vst v9;
	v6 =	vadd.f32 v10, v8;
	v4 =	vmul.f32 v16, v4  }
0x55: {  	s29 =	smul.u32 @!p0 $0x640, s25;
	[tilespmem:s28+$0x12C20] =	vst v11;
	v3 =	vadd.f32 v16, v3  }
0x56: {  	[tilespmem:s28+$0x14C20] =	vst v6;
	v1 =	vadd.f32 v4, v1  }
0x57: {  	s26 =	sor.u32 $0x1, s26;
	s29 =	sshra.s32 @!p0 s29, $0x2;
	[tilespmem:s28+$0x12C30] =	vst v3  }
0x58: {  	s30 =	simm.s32 @!p0 $0x68;
	s31 =	simm.s32 @!p0 $0xC800;
	[tilespmem:s28+$0x14C30] =	vst v1;
	s28 =	sadd.s32 @!p0 $0x190, s29  }
0x59: {  	[tilespmem:s31], [sflag:$0x1] =	stream.indirect.gather @!p0 [hbm4b:s3+s30], $0x40, s28, s30, $0xb8;
	[tilespmem:$0x18C00] =	vst v63  }
0x5a: {  	s28 =	sadd.s32 @!p0 $0x1F8, s29;
	s29 =	simm.s32 @!p0 $0x60;
	s30 =	simm.s32 @!p0 $0xE200  }
0x5b: {  	[tilespmem:s30], [sflag:$0x1] =	stream.indirect.gather @!p0 [hbm4b:s3+s29], $0x40, s28, s29, $0xb8;
	[tilespmem:$0x18C00] =	vst v63  }
0x5c: {  	v0 =	vmov s26;
	_ =	swait.ge [sflag:s20], $0x1A00  }
0x5d: {  	v0 =	vmul.u32 $0xC8, v0;
	[sflag:s20] =	ssyncset.done $0x0  }
0x5e: {  	s28 =	simm.s32 $0x1;
	[sflag:s20] =	ssyncadd.s32 $0xFFFFE600  }
0x5f: {  	v4 =	vbroadcast v0, $0x0;
	v0 =	vmov s28;
	_ =	swait.ge [sflag:s20], $0x1800  }
0x60: {  	v1 =	vand.u32 $0xF8, v0;
	[sflag:s20] =	ssyncset.done $0x0  }
0x61: {  	v0 =	vand.u32 $0x7, v0;
	v1 =	vadd.s32 v4, v1;
	[sflag:s20] =	ssyncadd.s32 $0xFFFFE800  }
0x62: {  	v2 =	vor.u32 v0, v1;
	v3 =	vld [tilespmem:$0xFA00]  }
0x63: {  	s28 =	simm.s32 $0x2;
	v1 =	vld [tilespmem:$0xFA10]  }
0x64: {  	v5 =	vmov s28;
	s28 =	simm.s32 $0xFA70;
	v0 =	vld [tilespmem:$0xFA20]  }
0x65: {  	v8 =	vld [tilespmem:s28+$0x0]  }
0x66: {  	v6 =	vand.u32 $0xF8, v5;
	v7 =	vld [tilespmem:s28+$0xFFFFFFD0]  }
0x67: {  	v10 =	vld.idx.msk [tilespmem:v2+s11+$0x0], $0xffff;
	v2 =	vand.u32 $0x7, v5;
	v5 =	vadd.s32 v4, v6  }
0x68: {  	s29 =	simm.s32 $0x3;
	v11 =	vld [tilespmem:s28+$0xFFFFFFE0];
	v5 =	vor.u32 v2, v5  }
0x69: {  	v13 =	vld [tilespmem:s28+$0xFFFFFFF0];
	v6 =	vmov s29  }
0x6a: {  	v2 =	vld [tilespmem:$0xFA30];
	v12 =	vand.u32 $0xF8, v6  }
0x6b: {  	s28 =	simm.s32 $0xFAB0;
	v6 =	vand.u32 $0x7, v6;
	v12 =	vadd.s32 v4, v12  }
0x6c: {  	v9 =	vimm.f32 $0.0e+00;
	v17 =	vor.u32 v6, v12;
	v6 =	vld [tilespmem:s28+$0x0];
	v14 =	vadd.f32 v7, v3  }
0x6d: {  	v12 =	vadd.f32 v11, v1;
	v15 =	vmul.f32 v8, v10;
	v16 =	vmul.f32 v7, v10;
	v5 =	vld.idx.msk [tilespmem:v5+s11+$0x0], $0xffff  }
0x6e: {  	v18 =	vld [tilespmem:s28+$0xFFFFFFD0];
	v20 =	vmul.f32 v11, v10;
	v11 =	vadd.f32 v13, v0;
	v19 =	vmul.f32 v13, v10  }
0x6f: {  	s29 =	simm.s32 $0x4;
	v13 =	vimm.f32 $0.0e+00;
	v10 =	vmovc v2;
	v7 =	vadd.f32 v15, v9;
	v16 =	vadd.f32 v16, v9;
	v15 =	vld [tilespmem:s28+$0xFFFFFFE0]  }
.LBB2_5:
0x70: {  	v21 =	vmov s29;
	p1 =	sne.s32 s29, $0xC7;
	s29 =	sadd.s32 $0x1, s29;
	v22 =	vld [tilespmem:s28+$0xFFFFFFF0];
	v9 =	vadd.f32 v20, v9;
	v10 =	vadd.f32 v8, v10  }
.Ltmp3:
0x71: {  	v24 =	vand.u32 $0xF8, v21;
	v13 =	vadd.f32 v19, v13;
	(pc) =	sbr.rel @p1 .LBB2_5-.Ltmp3, $4  }
0x72: {  	s28 =	sadd.s32 $0x40, s28;
	v19 =	vand.u32 $0x7, v21;
	v23 =	vmovc v5;
	v20 =	vadd.s32 v4, v24;
	v21 =	vmul.f32 v6, v5;
	v5 =	vld.idx.msk [tilespmem:v17+s11+$0x0], $0xffff  }
0x73: {  	v8 =	vmovc v6;
	v17 =	vor.u32 v19, v20;
	v14 =	vadd.f32 v18, v14;
	v19 =	vmul.f32 v18, v23;
	v6 =	vld [tilespmem:s28+$0x0]  }
0x74: {  	v18 =	vld [tilespmem:s28+$0xFFFFFFD0];
	v12 =	vadd.f32 v15, v12;
	v20 =	vmul.f32 v15, v23;
	v7 =	vadd.f32 v21, v7  }
0x75: {  	v15 =	vld [tilespmem:s28+$0xFFFFFFE0];
	v16 =	vadd.f32 v19, v16;
	v11 =	vadd.f32 v22, v11;
	v19 =	vmul.f32 v22, v23  }
0x76: {  	_ =	sdelay $0x3  }
0x77: {  	v4 =	vld.idx.msk [tilespmem:v17+s11+$0x0], $0xffff  }
0x78: {  	s29 =	sadd.s32 $0x40, s28;
	v23 =	vld [tilespmem:s28+$0xFFFFFFF0]  }
0x79: {  	v50 =	vld [tilespmem:s29+$0xFFFFFFD0]  }
0x7a: {  	v58 =	vadd.f32 v8, v10;
	v22 =	vld [tilespmem:s29+$0xFFFFFFE0]  }
0x7b: {  	v9 =	vadd.f32 v20, v9;
	s26 =	sshll.u32 s26, $0x6;
	v55 =	vld [tilespmem:s29+$0x0];
	v13 =	vadd.f32 v19, v13;
	v61 =	vmul.f32 v6, v5  }
0x7c: {  	v53 =	vld [tilespmem:s29+$0xFFFFFFF0];
	[tilespmem:s26+$0x16C00] =	vst v3;
	v3 =	vadd.f32 v6, v58;
	v21 =	vmul.f32 v18, v5;
	v14 =	vadd.f32 v18, v14  }
0x7d: {  	[tilespmem:s26+$0x16C10] =	vst v1;
	v12 =	vadd.f32 v15, v12;
	v63 =	vadd.f32 v61, v7  }
0x7e: {  	[tilespmem:s26+$0x16C20] =	vst v0;
	v16 =	vadd.f32 v21, v16;
	v14 =	vadd.f32 v50, v14  }
0x7f: {  	[tilespmem:s26+$0x16C30] =	vst v2;
	v52 =	vmul.f32 v15, v5;
	v11 =	vadd.f32 v23, v11;
	v12 =	vadd.f32 v22, v12  }
0x80: {  	v57 =	vmul.f32 v23, v5;
	v51 =	vmul.f32 v50, v4;
	v3 =	vadd.f32 v55, v3;
	[tilespmem:s26+$0x12C00] =	vst v14  }
0x81: {  	v9 =	vadd.f32 v52, v9;
	v56 =	vmul.f32 v22, v4;
	v11 =	vadd.f32 v53, v11;
	[tilespmem:s26+$0x12C10] =	vst v12  }
0x82: {  	v60 =	vmul.f32 v53, v4;
	v4 =	vmul.f32 v55, v4;
	v54 =	vadd.f32 v51, v16;
	[tilespmem:s26+$0x12C30] =	vst v3  }
.Ltmp4:
0x83: {  	v59 =	vadd.f32 v57, v13;
	v9 =	vadd.f32 v56, v9;
	[tilespmem:s26+$0x12C20] =	vst v11;
	(pc) =	sbr.rel @p0 .LBB2_8-.Ltmp4, $4  }
0x84: {  	v1 =	vadd.f32 v4, v63;
	[tilespmem:s26+$0x14C00] =	vst v54  }
0x85: {  	v62 =	vadd.f32 v60, v59;
	[tilespmem:s26+$0x14C10] =	vst v9  }
0x86: {  	[tilespmem:s26+$0x14C30] =	vst v1  }
0x87: {  	[tilespmem:s26+$0x14C20] =	vst v62  }
0x88: {  	s26 =	smul.u32 $0x640, s25;
	_ =	sdelay $0x1  }
.Ltmp5:
0x89: {  	s26 =	sshra.s32 s26, $0x2;
	(pc) =	sbr.rel .LBB2_2-.Ltmp5, $4  }
0x8a: {  	s28 =	sadd.s32 $0x258, s26  }
0x8b: {  	[tilespmem:s17], [sflag:$0x2] =	stream.indirect.gather [hbm4b:s3+s12], $0x40, s28, s12, $0xb8;
	[tilespmem:$0x18C00] =	vst v63  }
0x8c: {  	s25 =	sadd.s32 $0x1, s25;
	s26 =	sadd.s32 $0x2C0, s26  }
0x8d: {  	[tilespmem:s19], [sflag:$0x2] =	stream.indirect.gather [hbm4b:s3+s14], $0x40, s26, s14, $0xb8;
	[tilespmem:$0x18C00] =	vst v63  }
.LBB2_9:
0x8e: {  	_ =	sfence.sel $0x180000  }
0x8f: {  	[bflag:$0x0] =	sbarrier.arrive $0xFFFF  }
0x90: {  	p0 =	sne.s32 s0, $0x0;
	_ =	strace $0x90000047  }
0x91: {  	s0 =	sadd.s32 @!p0 $0x100000, s1;
	[bflag:$0x2] =	sbarrier.arrive $0xFFFF  }
0x92: {  	[sflag:s0] =	ssyncadd.tile.s32 @!p0 $0x1;
	_ =	shalt  }
.Lfunc_end2:
_tile_overlayer_lowered:
.L_overlay_start_2:
0x93: {  	(tag) =	ssettag $0x2  }
0x94: {  	s0 =	rddreg [dreg:$0x0];
	s2 =	stileid.u32  }
0x95: {  	s1 =	rddreg [dreg:$0x1];
	p0 =	sne.s32 s2, $0x0  }
0x96: {  	s3 =	rddreg [dreg:$0x2];
	[bflag:$0x3] =	sbarrier.arrive $0xFFFF;
	s2 =	simm.s32 @!p0 $0x1C03  }
0x97: {  	[timem:s3], [sflag:s2] =	dma.local @!p0 [hbm:s0], s1  }
0x98: {  	s0 =	simm.s32 @!p0 $0x3  }
0x99: {  	_ =	swait.ge @!p0 [sflag:s0], s1  }
0x9a: {  	s1 =	ssub.s32 @!p0 $0x0, s1;
	[sflag:s0] =	ssyncset.done @!p0 $0x0  }
0x9b: {  	[sflag:s0] =	ssyncadd.s32 @!p0 s1  }
0x9c: {  	[bflag:$0x3] =	sbarrier.arrive $0xFFFF  }
0x9d: {  	_ =	shalt  }

</sc_bundles>
